<compile_context>
chip_gen: v7x
topology: tpu7x:2x2x1
jax: 0.10.2.dev20260603
libtpu: 0.0.44.dev20260713+nightly
codegen_flags: <defaults>
</compile_context>

<pallas_src>
import functools

import jax
import jax.numpy as jnp
from jax import lax
from jax.experimental import pallas as pl
from jax.experimental.pallas import tpu as pltpu
from jax.experimental.pallas import tpu_sc as plsc

_L = 16


@functools.cache
def _build(B, D, dtype):
    info = plsc.get_sparse_core_info()
    NC, NS = info.num_cores, info.num_subcores
    NW = NC * NS
    b_per_w = B // NW
    mesh = plsc.VectorSubcoreMesh(core_axis_name="c", subcore_axis_name="s")

    @functools.partial(
        pl.kernel,
        mesh=mesh,
        out_type=jax.ShapeDtypeStruct((B, D), dtype),
        scratch_types=[
            pltpu.VMEM((b_per_w,), jnp.int32),
            pltpu.VMEM((b_per_w, D), dtype),
            pltpu.SemaphoreType.DMA,
        ],
    )
    def k(idx_hbm, tab_hbm, out_hbm, idx_v, rows_v, sem):
        wid = lax.axis_index("s") * NC + lax.axis_index("c")
        base = wid * b_per_w
        pltpu.sync_copy(idx_hbm.at[pl.ds(base, b_per_w)], idx_v)

        def fetch(c, _):
            vec = idx_v[pl.ds(c * _L, _L)]
            for j in range(_L):
                i = c * _L + j
                r = vec[j]
                pltpu.async_copy(tab_hbm.at[pl.ds(r, 1)],
                                 rows_v.at[pl.ds(i, 1)], sem)
            return ()

        lax.fori_loop(0, b_per_w // _L, fetch, (), unroll=False)
        pltpu.make_async_copy(tab_hbm.at[pl.ds(0, b_per_w)], rows_v,
                              sem).wait()
        pltpu.sync_copy(rows_v, out_hbm.at[pl.ds(base, b_per_w)])

    return k


def kernel(users, items, user_table, item_table):
    B = users.shape[0]
    D = user_table.shape[1]
    k = _build(B, D, user_table.dtype)
    users_embs = k(users.astype(jnp.int32), user_table)
    items_embs = k(items.astype(jnp.int32), item_table)
    return (users_embs, items_embs)

# --- scband reference (transcript-rebuilt; emitter-appended) ---
"""Pipeline reference for scband-twhin-graph-encoder-13280038880009 (READ-ONLY COPY).

The authoritative reference and input builder live on the scoring server;
editing this copy changes nothing except your own understanding.
"""

import jax, jax.numpy as jnp
import numpy as np

USER_NUM = 100000
ITEM_NUM = 100000
EMBED_DIM = 64
BATCH = 16384


def setup_inputs(seed: int = 0) -> dict:
    key = jax.random.key(seed)
    k1, k2, k3, k4 = jax.random.split(key, 4)
    users = jax.random.randint(k1, (BATCH,), 0, USER_NUM, dtype=jnp.int64 if jax.config.jax_enable_x64 else jnp.int32)
    items = jax.random.randint(k2, (BATCH,), 0, ITEM_NUM, dtype=jnp.int64 if jax.config.jax_enable_x64 else jnp.int32)
    # Learned parameters: embedding tables sized (num + 1, embedding_dim), like torch.nn.Embedding
    user_table = jax.random.normal(k3, (USER_NUM + 1, EMBED_DIM), dtype=jnp.float32)
    item_table = jax.random.normal(k4, (ITEM_NUM + 1, EMBED_DIM), dtype=jnp.float32)
    return {"users": users, "items": items, "user_table": user_table, "item_table": item_table}


def reference(users, items, user_table, item_table):
    # Faithful translation of TwhinGraphEncoder.forward with use_type=False:
    #   users_embs = self.user_emb(users); items_embs = self.item_emb(items)
    users_embs = jnp.take(user_table, users, axis=0)
    items_embs = jnp.take(item_table, items, axis=0)
    return (users_embs, items_embs)

if __name__ == "__main__":
    import jax
    _d = setup_inputs()
    print(jax.jit(kernel)(*tuple(_d.values())))

</pallas_src>

<mosaic_0001>
#map = affine_map<(d0, d1) -> (0)>
#map1 = affine_map<(d0, d1) -> (0, 0)>
module attributes {stable_mosaic.version = 14 : i64} {
  func.func @k(%arg0: i32, %arg1: i32, %arg2: memref<16384xi32, #tpu.memory_space<hbm>>, %arg3: memref<100001x64xf32, #tpu.memory_space<hbm>>, %arg4: memref<16384x64xf32, #tpu.memory_space<hbm>>, %arg5: memref<512xi32, #tpu.memory_space<vmem>>, %arg6: memref<512x64xf32, #tpu.memory_space<vmem>>, %arg7: memref<!tpu.dma_semaphore, #tpu.memory_space<semaphore_mem>>) attributes {dimension_semantics = [#tpu.dimension_semantics<core_parallel>, #tpu.dimension_semantics<subcore_parallel>], iteration_bounds = array<i64: 2, 16>, scalar_prefetch = 0 : i64, scratch_operands = 3 : i64, tpu.core_type = #tpu.core_type<sc_vector_subcore>, window_params = [{transform_indices = #map}, {transform_indices = #map1}, {transform_indices = #map1}]} {
    %mul3A = arith.constant 2 : i32
    %mul3A_0 = arith.muli %arg1, %mul3A : i32
    %add3A = arith.addi %mul3A_0, %arg0 : i32
    %mul3A_1 = arith.constant 512 : i32
    %mul3A_2 = arith.muli %add3A, %mul3A_1 : i32
    "tpu.region"() ({
      %run_scoped3A = tpu.sem_alloc : memref<!tpu.dma_semaphore, #tpu.memory_space<semaphore_mem>>
      %dma_start3A = tpu.memref_slice %arg2[%mul3A_2] : memref<16384xi32, #tpu.memory_space<hbm>> -> memref<512xi32, #tpu.memory_space<hbm>>
      %dma_start3A_12 = tpu.memref_slice %arg2[%mul3A_2] : memref<16384xi32, #tpu.memory_space<hbm>> -> memref<512xi32, #tpu.memory_space<hbm>>
      tpu.enqueue_dma source(%dma_start3A_12 : memref<512xi32, #tpu.memory_space<hbm>>) target(%arg5 : memref<512xi32, #tpu.memory_space<vmem>>) target_semaphore(%run_scoped3A : memref<!tpu.dma_semaphore, #tpu.memory_space<semaphore_mem>>)
      %dma_wait3A_13 = tpu.memref_slice %arg2[%mul3A_2] : memref<16384xi32, #tpu.memory_space<hbm>> -> memref<512xi32, #tpu.memory_space<hbm>>
      %dma_wait3A_14 = tpu.memref_slice %arg2[%mul3A_2] : memref<16384xi32, #tpu.memory_space<hbm>> -> memref<512xi32, #tpu.memory_space<hbm>>
      tpu.wait_dma2 semaphore(%run_scoped3A : memref<!tpu.dma_semaphore, #tpu.memory_space<semaphore_mem>>) src(%dma_wait3A_14 : memref<512xi32, #tpu.memory_space<hbm>>) dst(%arg5 : memref<512xi32, #tpu.memory_space<vmem>>)
      tpu.yield
    }) : () -> ()
    %scan3A = arith.constant 0 : i32
    %scan3A_3 = arith.constant 32 : i32
    %scan3A_4 = arith.addi %scan3A, %scan3A_3 : i32
    %scan3A_5 = arith.constant 1 : i32
    scf.for %scan3A_12 = %scan3A to %scan3A_4 step %scan3A_5  : i32 {
      %mul3A_13 = arith.constant 16 : i32
      %mul3A_14 = arith.muli %scan3A_12, %mul3A_13 : i32
      %get3A = arith.index_cast %mul3A_14 : i32 to index
      %get3A_15 = tpu.vector_load %arg5[%get3A] {strides = array<i32>} : memref<512xi32, #tpu.memory_space<vmem>>, vector<16xi32>,
      %get3A_16 = vector.shape_cast %get3A_15 : vector<16xi32> to vector<16xi32>
      %mul3A_17 = arith.constant 16 : i32
      %mul3A_18 = arith.muli %scan3A_12, %mul3A_17 : i32
      %add3A_19 = arith.constant 0 : i32
      %add3A_20 = arith.addi %mul3A_18, %add3A_19 : i32
      %slice3A = vector.extract_strided_slice %get3A_16 {offsets = [0], sizes = [1], strides = [1]} : vector<16xi32> to vector<1xi32>
      %squeeze3A = vector.extract %slice3A[0] : i32 from vector<1xi32>
      %dma_start3A = arith.constant 0 : i32
      %dma_start3A_21 = tpu.memref_slice %arg6[%add3A_20, %dma_start3A] : memref<512x64xf32, #tpu.memory_space<vmem>> -> memref<1x64xf32, #tpu.memory_space<vmem>>
      %dma_start3A_22 = arith.constant 0 : i32
      %dma_start3A_23 = tpu.memref_slice %arg3[%squeeze3A, %dma_start3A_22] : memref<100001x64xf32, #tpu.memory_space<hbm>> -> memref<1x64xf32, #tpu.memory_space<hbm>>
      %dma_start3A_24 = arith.constant 0 : i32
      %dma_start3A_25 = tpu.memref_slice %arg6[%add3A_20, %dma_start3A_24] : memref<512x64xf32, #tpu.memory_space<vmem>> -> memref<1x64xf32, #tpu.memory_space<vmem>>
      %dma_start3A_26 = arith.constant 0 : i32
      %dma_start3A_27 = tpu.memref_slice %arg3[%squeeze3A, %dma_start3A_26] : memref<100001x64xf32, #tpu.memory_space<hbm>> -> memref<1x64xf32, #tpu.memory_space<hbm>>
      tpu.enqueue_dma source(%dma_start3A_27 : memref<1x64xf32, #tpu.memory_space<hbm>>) target(%dma_start3A_25 : memref<1x64xf32, #tpu.memory_space<vmem>>) target_semaphore(%arg7 : memref<!tpu.dma_semaphore, #tpu.memory_space<semaphore_mem>>)
      %mul3A_28 = arith.constant 16 : i32
      %mul3A_29 = arith.muli %scan3A_12, %mul3A_28 : i32
      %add3A_30 = arith.constant 1 : i32
      %add3A_31 = arith.addi %mul3A_29, %add3A_30 : i32
      %slice3A_32 = vector.extract_strided_slice %get3A_16 {offsets = [1], sizes = [1], strides = [1]} : vector<16xi32> to vector<1xi32>
      %squeeze3A_33 = vector.extract %slice3A_32[0] : i32 from vector<1xi32>
      %dma_start3A_34 = arith.constant 0 : i32
      %dma_start3A_35 = tpu.memref_slice %arg6[%add3A_31, %dma_start3A_34] : memref<512x64xf32, #tpu.memory_space<vmem>> -> memref<1x64xf32, #tpu.memory_space<vmem>>
      %dma_start3A_36 = arith.constant 0 : i32
      %dma_start3A_37 = tpu.memref_slice %arg3[%squeeze3A_33, %dma_start3A_36] : memref<100001x64xf32, #tpu.memory_space<hbm>> -> memref<1x64xf32, #tpu.memory_space<hbm>>
      %dma_start3A_38 = arith.constant 0 : i32
      %dma_start3A_39 = tpu.memref_slice %arg6[%add3A_31, %dma_start3A_38] : memref<512x64xf32, #tpu.memory_space<vmem>> -> memref<1x64xf32, #tpu.memory_space<vmem>>
      %dma_start3A_40 = arith.constant 0 : i32
      %dma_start3A_41 = tpu.memref_slice %arg3[%squeeze3A_33, %dma_start3A_40] : memref<100001x64xf32, #tpu.memory_space<hbm>> -> memref<1x64xf32, #tpu.memory_space<hbm>>
      tpu.enqueue_dma source(%dma_start3A_41 : memref<1x64xf32, #tpu.memory_space<hbm>>) target(%dma_start3A_39 : memref<1x64xf32, #tpu.memory_space<vmem>>) target_semaphore(%arg7 : memref<!tpu.dma_semaphore, #tpu.memory_space<semaphore_mem>>)
      %mul3A_42 = arith.constant 16 : i32
      %mul3A_43 = arith.muli %scan3A_12, %mul3A_42 : i32
      %add3A_44 = arith.constant 2 : i32
      %add3A_45 = arith.addi %mul3A_43, %add3A_44 : i32
      %slice3A_46 = vector.extract_strided_slice %get3A_16 {offsets = [2], sizes = [1], strides = [1]} : vector<16xi32> to vector<1xi32>
      %squeeze3A_47 = vector.extract %slice3A_46[0] : i32 from vector<1xi32>
      %dma_start3A_48 = arith.constant 0 : i32
      %dma_start3A_49 = tpu.memref_slice %arg6[%add3A_45, %dma_start3A_48] : memref<512x64xf32, #tpu.memory_space<vmem>> -> memref<1x64xf32, #tpu.memory_space<vmem>>
      %dma_start3A_50 = arith.constant 0 : i32
      %dma_start3A_51 = tpu.memref_slice %arg3[%squeeze3A_47, %dma_start3A_50] : memref<100001x64xf32, #tpu.memory_space<hbm>> -> memref<1x64xf32, #tpu.memory_space<hbm>>
      %dma_start3A_52 = arith.constant 0 : i32
      %dma_start3A_53 = tpu.memref_slice %arg6[%add3A_45, %dma_start3A_52] : memref<512x64xf32, #tpu.memory_space<vmem>> -> memref<1x64xf32, #tpu.memory_space<vmem>>
      %dma_start3A_54 = arith.constant 0 : i32
      %dma_start3A_55 = tpu.memref_slice %arg3[%squeeze3A_47, %dma_start3A_54] : memref<100001x64xf32, #tpu.memory_space<hbm>> -> memref<1x64xf32, #tpu.memory_space<hbm>>
      tpu.enqueue_dma source(%dma_start3A_55 : memref<1x64xf32, #tpu.memory_space<hbm>>) target(%dma_start3A_53 : memref<1x64xf32, #tpu.memory_space<vmem>>) target_semaphore(%arg7 : memref<!tpu.dma_semaphore, #tpu.memory_space<semaphore_mem>>)
      %mul3A_56 = arith.constant 16 : i32
      %mul3A_57 = arith.muli %scan3A_12, %mul3A_56 : i32
      %add3A_58 = arith.constant 3 : i32
      %add3A_59 = arith.addi %mul3A_57, %add3A_58 : i32
      %slice3A_60 = vector.extract_strided_slice %get3A_16 {offsets = [3], sizes = [1], strides = [1]} : vector<16xi32> to vector<1xi32>
      %squeeze3A_61 = vector.extract %slice3A_60[0] : i32 from vector<1xi32>
      %dma_start3A_62 = arith.constant 0 : i32
      %dma_start3A_63 = tpu.memref_slice %arg6[%add3A_59, %dma_start3A_62] : memref<512x64xf32, #tpu.memory_space<vmem>> -> memref<1x64xf32, #tpu.memory_space<vmem>>
      %dma_start3A_64 = arith.constant 0 : i32
      %dma_start3A_65 = tpu.memref_slice %arg3[%squeeze3A_61, %dma_start3A_64] : memref<100001x64xf32, #tpu.memory_space<hbm>> -> memref<1x64xf32, #tpu.memory_space<hbm>>
      %dma_start3A_66 = arith.constant 0 : i32
      %dma_start3A_67 = tpu.memref_slice %arg6[%add3A_59, %dma_start3A_66] : memref<512x64xf32, #tpu.memory_space<vmem>> -> memref<1x64xf32, #tpu.memory_space<vmem>>
      %dma_start3A_68 = arith.constant 0 : i32
      %dma_start3A_69 = tpu.memref_slice %arg3[%squeeze3A_61, %dma_start3A_68] : memref<100001x64xf32, #tpu.memory_space<hbm>> -> memref<1x64xf32, #tpu.memory_space<hbm>>
      tpu.enqueue_dma source(%dma_start3A_69 : memref<1x64xf32, #tpu.memory_space<hbm>>) target(%dma_start3A_67 : memref<1x64xf32, #tpu.memory_space<vmem>>) target_semaphore(%arg7 : memref<!tpu.dma_semaphore, #tpu.memory_space<semaphore_mem>>)
      %mul3A_70 = arith.constant 16 : i32
      %mul3A_71 = arith.muli %scan3A_12, %mul3A_70 : i32
      %add3A_72 = arith.constant 4 : i32
      %add3A_73 = arith.addi %mul3A_71, %add3A_72 : i32
      %slice3A_74 = vector.extract_strided_slice %get3A_16 {offsets = [4], sizes = [1], strides = [1]} : vector<16xi32> to vector<1xi32>
      %squeeze3A_75 = vector.extract %slice3A_74[0] : i32 from vector<1xi32>
      %dma_start3A_76 = arith.constant 0 : i32
      %dma_start3A_77 = tpu.memref_slice %arg6[%add3A_73, %dma_start3A_76] : memref<512x64xf32, #tpu.memory_space<vmem>> -> memref<1x64xf32, #tpu.memory_space<vmem>>
      %dma_start3A_78 = arith.constant 0 : i32
      %dma_start3A_79 = tpu.memref_slice %arg3[%squeeze3A_75, %dma_start3A_78] : memref<100001x64xf32, #tpu.memory_space<hbm>> -> memref<1x64xf32, #tpu.memory_space<hbm>>
      %dma_start3A_80 = arith.constant 0 : i32
      %dma_start3A_81 = tpu.memref_slice %arg6[%add3A_73, %dma_start3A_80] : memref<512x64xf32, #tpu.memory_space<vmem>> -> memref<1x64xf32, #tpu.memory_space<vmem>>
      %dma_start3A_82 = arith.constant 0 : i32
      %dma_start3A_83 = tpu.memref_slice %arg3[%squeeze3A_75, %dma_start3A_82] : memref<100001x64xf32, #tpu.memory_space<hbm>> -> memref<1x64xf32, #tpu.memory_space<hbm>>
      tpu.enqueue_dma source(%dma_start3A_83 : memref<1x64xf32, #tpu.memory_space<hbm>>) target(%dma_start3A_81 : memref<1x64xf32, #tpu.memory_space<vmem>>) target_semaphore(%arg7 : memref<!tpu.dma_semaphore, #tpu.memory_space<semaphore_mem>>)
      %mul3A_84 = arith.constant 16 : i32
      %mul3A_85 = arith.muli %scan3A_12, %mul3A_84 : i32
      %add3A_86 = arith.constant 5 : i32
      %add3A_87 = arith.addi %mul3A_85, %add3A_86 : i32
      %slice3A_88 = vector.extract_strided_slice %get3A_16 {offsets = [5], sizes = [1], strides = [1]} : vector<16xi32> to vector<1xi32>
      %squeeze3A_89 = vector.extract %slice3A_88[0] : i32 from vector<1xi32>
      %dma_start3A_90 = arith.constant 0 : i32
      %dma_start3A_91 = tpu.memref_slice %arg6[%add3A_87, %dma_start3A_90] : memref<512x64xf32, #tpu.memory_space<vmem>> -> memref<1x64xf32, #tpu.memory_space<vmem>>
      %dma_start3A_92 = arith.constant 0 : i32
      %dma_start3A_93 = tpu.memref_slice %arg3[%squeeze3A_89, %dma_start3A_92] : memref<100001x64xf32, #tpu.memory_space<hbm>> -> memref<1x64xf32, #tpu.memory_space<hbm>>
      %dma_start3A_94 = arith.constant 0 : i32
      %dma_start3A_95 = tpu.memref_slice %arg6[%add3A_87, %dma_start3A_94] : memref<512x64xf32, #tpu.memory_space<vmem>> -> memref<1x64xf32, #tpu.memory_space<vmem>>
      %dma_start3A_96 = arith.constant 0 : i32
      %dma_start3A_97 = tpu.memref_slice %arg3[%squeeze3A_89, %dma_start3A_96] : memref<100001x64xf32, #tpu.memory_space<hbm>> -> memref<1x64xf32, #tpu.memory_space<hbm>>
      tpu.enqueue_dma source(%dma_start3A_97 : memref<1x64xf32, #tpu.memory_space<hbm>>) target(%dma_start3A_95 : memref<1x64xf32, #tpu.memory_space<vmem>>) target_semaphore(%arg7 : memref<!tpu.dma_semaphore, #tpu.memory_space<semaphore_mem>>)
      %mul3A_98 = arith.constant 16 : i32
      %mul3A_99 = arith.muli %scan3A_12, %mul3A_98 : i32
      %add3A_100 = arith.constant 6 : i32
      %add3A_101 = arith.addi %mul3A_99, %add3A_100 : i32
      %slice3A_102 = vector.extract_strided_slice %get3A_16 {offsets = [6], sizes = [1], strides = [1]} : vector<16xi32> to vector<1xi32>
      %squeeze3A_103 = vector.extract %slice3A_102[0] : i32 from vector<1xi32>
      %dma_start3A_104 = arith.constant 0 : i32
      %dma_start3A_105 = tpu.memref_slice %arg6[%add3A_101, %dma_start3A_104] : memref<512x64xf32, #tpu.memory_space<vmem>> -> memref<1x64xf32, #tpu.memory_space<vmem>>
      %dma_start3A_106 = arith.constant 0 : i32
      %dma_start3A_107 = tpu.memref_slice %arg3[%squeeze3A_103, %dma_start3A_106] : memref<100001x64xf32, #tpu.memory_space<hbm>> -> memref<1x64xf32, #tpu.memory_space<hbm>>
      %dma_start3A_108 = arith.constant 0 : i32
      %dma_start3A_109 = tpu.memref_slice %arg6[%add3A_101, %dma_start3A_108] : memref<512x64xf32, #tpu.memory_space<vmem>> -> memref<1x64xf32, #tpu.memory_space<vmem>>
      %dma_start3A_110 = arith.constant 0 : i32
      %dma_start3A_111 = tpu.memref_slice %arg3[%squeeze3A_103, %dma_start3A_110] : memref<100001x64xf32, #tpu.memory_space<hbm>> -> memref<1x64xf32, #tpu.memory_space<hbm>>
      tpu.enqueue_dma source(%dma_start3A_111 : memref<1x64xf32, #tpu.memory_space<hbm>>) target(%dma_start3A_109 : memref<1x64xf32, #tpu.memory_space<vmem>>) target_semaphore(%arg7 : memref<!tpu.dma_semaphore, #tpu.memory_space<semaphore_mem>>)
      %mul3A_112 = arith.constant 16 : i32
      %mul3A_113 = arith.muli %scan3A_12, %mul3A_112 : i32
      %add3A_114 = arith.constant 7 : i32
      %add3A_115 = arith.addi %mul3A_113, %add3A_114 : i32
      %slice3A_116 = vector.extract_strided_slice %get3A_16 {offsets = [7], sizes = [1], strides = [1]} : vector<16xi32> to vector<1xi32>
      %squeeze3A_117 = vector.extract %slice3A_116[0] : i32 from vector<1xi32>
      %dma_start3A_118 = arith.constant 0 : i32
      %dma_start3A_119 = tpu.memref_slice %arg6[%add3A_115, %dma_start3A_118] : memref<512x64xf32, #tpu.memory_space<vmem>> -> memref<1x64xf32, #tpu.memory_space<vmem>>
      %dma_start3A_120 = arith.constant 0 : i32
      %dma_start3A_121 = tpu.memref_slice %arg3[%squeeze3A_117, %dma_start3A_120] : memref<100001x64xf32, #tpu.memory_space<hbm>> -> memref<1x64xf32, #tpu.memory_space<hbm>>
      %dma_start3A_122 = arith.constant 0 : i32
      %dma_start3A_123 = tpu.memref_slice %arg6[%add3A_115, %dma_start3A_122] : memref<512x64xf32, #tpu.memory_space<vmem>> -> memref<1x64xf32, #tpu.memory_space<vmem>>
      %dma_start3A_124 = arith.constant 0 : i32
      %dma_start3A_125 = tpu.memref_slice %arg3[%squeeze3A_117, %dma_start3A_124] : memref<100001x64xf32, #tpu.memory_space<hbm>> -> memref<1x64xf32, #tpu.memory_space<hbm>>
      tpu.enqueue_dma source(%dma_start3A_125 : memref<1x64xf32, #tpu.memory_space<hbm>>) target(%dma_start3A_123 : memref<1x64xf32, #tpu.memory_space<vmem>>) target_semaphore(%arg7 : memref<!tpu.dma_semaphore, #tpu.memory_space<semaphore_mem>>)
      %mul3A_126 = arith.constant 16 : i32
      %mul3A_127 = arith.muli %scan3A_12, %mul3A_126 : i32
      %add3A_128 = arith.constant 8 : i32
      %add3A_129 = arith.addi %mul3A_127, %add3A_128 : i32
      %slice3A_130 = vector.extract_strided_slice %get3A_16 {offsets = [8], sizes = [1], strides = [1]} : vector<16xi32> to vector<1xi32>
      %squeeze3A_131 = vector.extract %slice3A_130[0] : i32 from vector<1xi32>
      %dma_start3A_132 = arith.constant 0 : i32
      %dma_start3A_133 = tpu.memref_slice %arg6[%add3A_129, %dma_start3A_132] : memref<512x64xf32, #tpu.memory_space<vmem>> -> memref<1x64xf32, #tpu.memory_space<vmem>>
      %dma_start3A_134 = arith.constant 0 : i32
      %dma_start3A_135 = tpu.memref_slice %arg3[%squeeze3A_131, %dma_start3A_134] : memref<100001x64xf32, #tpu.memory_space<hbm>> -> memref<1x64xf32, #tpu.memory_space<hbm>>
      %dma_start3A_136 = arith.constant 0 : i32
      %dma_start3A_137 = tpu.memref_slice %arg6[%add3A_129, %dma_start3A_136] : memref<512x64xf32, #tpu.memory_space<vmem>> -> memref<1x64xf32, #tpu.memory_space<vmem>>
      %dma_start3A_138 = arith.constant 0 : i32
      %dma_start3A_139 = tpu.memref_slice %arg3[%squeeze3A_131, %dma_start3A_138] : memref<100001x64xf32, #tpu.memory_space<hbm>> -> memref<1x64xf32, #tpu.memory_space<hbm>>
      tpu.enqueue_dma source(%dma_start3A_139 : memref<1x64xf32, #tpu.memory_space<hbm>>) target(%dma_start3A_137 : memref<1x64xf32, #tpu.memory_space<vmem>>) target_semaphore(%arg7 : memref<!tpu.dma_semaphore, #tpu.memory_space<semaphore_mem>>)
      %mul3A_140 = arith.constant 16 : i32
      %mul3A_141 = arith.muli %scan3A_12, %mul3A_140 : i32
      %add3A_142 = arith.constant 9 : i32
      %add3A_143 = arith.addi %mul3A_141, %add3A_142 : i32
      %slice3A_144 = vector.extract_strided_slice %get3A_16 {offsets = [9], sizes = [1], strides = [1]} : vector<16xi32> to vector<1xi32>
      %squeeze3A_145 = vector.extract %slice3A_144[0] : i32 from vector<1xi32>
      %dma_start3A_146 = arith.constant 0 : i32
      %dma_start3A_147 = tpu.memref_slice %arg6[%add3A_143, %dma_start3A_146] : memref<512x64xf32, #tpu.memory_space<vmem>> -> memref<1x64xf32, #tpu.memory_space<vmem>>
      %dma_start3A_148 = arith.constant 0 : i32
      %dma_start3A_149 = tpu.memref_slice %arg3[%squeeze3A_145, %dma_start3A_148] : memref<100001x64xf32, #tpu.memory_space<hbm>> -> memref<1x64xf32, #tpu.memory_space<hbm>>
      %dma_start3A_150 = arith.constant 0 : i32
      %dma_start3A_151 = tpu.memref_slice %arg6[%add3A_143, %dma_start3A_150] : memref<512x64xf32, #tpu.memory_space<vmem>> -> memref<1x64xf32, #tpu.memory_space<vmem>>
      %dma_start3A_152 = arith.constant 0 : i32
      %dma_start3A_153 = tpu.memref_slice %arg3[%squeeze3A_145, %dma_start3A_152] : memref<100001x64xf32, #tpu.memory_space<hbm>> -> memref<1x64xf32, #tpu.memory_space<hbm>>
      tpu.enqueue_dma source(%dma_start3A_153 : memref<1x64xf32, #tpu.memory_space<hbm>>) target(%dma_start3A_151 : memref<1x64xf32, #tpu.memory_space<vmem>>) target_semaphore(%arg7 : memref<!tpu.dma_semaphore, #tpu.memory_space<semaphore_mem>>)
      %mul3A_154 = arith.constant 16 : i32
      %mul3A_155 = arith.muli %scan3A_12, %mul3A_154 : i32
      %add3A_156 = arith.constant 10 : i32
      %add3A_157 = arith.addi %mul3A_155, %add3A_156 : i32
      %slice3A_158 = vector.extract_strided_slice %get3A_16 {offsets = [10], sizes = [1], strides = [1]} : vector<16xi32> to vector<1xi32>
      %squeeze3A_159 = vector.extract %slice3A_158[0] : i32 from vector<1xi32>
      %dma_start3A_160 = arith.constant 0 : i32
      %dma_start3A_161 = tpu.memref_slice %arg6[%add3A_157, %dma_start3A_160] : memref<512x64xf32, #tpu.memory_space<vmem>> -> memref<1x64xf32, #tpu.memory_space<vmem>>
      %dma_start3A_162 = arith.constant 0 : i32
      %dma_start3A_163 = tpu.memref_slice %arg3[%squeeze3A_159, %dma_start3A_162] : memref<100001x64xf32, #tpu.memory_space<hbm>> -> memref<1x64xf32, #tpu.memory_space<hbm>>
      %dma_start3A_164 = arith.constant 0 : i32
      %dma_start3A_165 = tpu.memref_slice %arg6[%add3A_157, %dma_start3A_164] : memref<512x64xf32, #tpu.memory_space<vmem>> -> memref<1x64xf32, #tpu.memory_space<vmem>>
      %dma_start3A_166 = arith.constant 0 : i32
      %dma_start3A_167 = tpu.memref_slice %arg3[%squeeze3A_159, %dma_start3A_166] : memref<100001x64xf32, #tpu.memory_space<hbm>> -> memref<1x64xf32, #tpu.memory_space<hbm>>
      tpu.enqueue_dma source(%dma_start3A_167 : memref<1x64xf32, #tpu.memory_space<hbm>>) target(%dma_start3A_165 : memref<1x64xf32, #tpu.memory_space<vmem>>) target_semaphore(%arg7 : memref<!tpu.dma_semaphore, #tpu.memory_space<semaphore_mem>>)
      %mul3A_168 = arith.constant 16 : i32
      %mul3A_169 = arith.muli %scan3A_12, %mul3A_168 : i32
      %add3A_170 = arith.constant 11 : i32
      %add3A_171 = arith.addi %mul3A_169, %add3A_170 : i32
      %slice3A_172 = vector.extract_strided_slice %get3A_16 {offsets = [11], sizes = [1], strides = [1]} : vector<16xi32> to vector<1xi32>
      %squeeze3A_173 = vector.extract %slice3A_172[0] : i32 from vector<1xi32>
      %dma_start3A_174 = arith.constant 0 : i32
      %dma_start3A_175 = tpu.memref_slice %arg6[%add3A_171, %dma_start3A_174] : memref<512x64xf32, #tpu.memory_space<vmem>> -> memref<1x64xf32, #tpu.memory_space<vmem>>
      %dma_start3A_176 = arith.constant 0 : i32
      %dma_start3A_177 = tpu.memref_slice %arg3[%squeeze3A_173, %dma_start3A_176] : memref<100001x64xf32, #tpu.memory_space<hbm>> -> memref<1x64xf32, #tpu.memory_space<hbm>>
      %dma_start3A_178 = arith.constant 0 : i32
      %dma_start3A_179 = tpu.memref_slice %arg6[%add3A_171, %dma_start3A_178] : memref<512x64xf32, #tpu.memory_space<vmem>> -> memref<1x64xf32, #tpu.memory_space<vmem>>
      %dma_start3A_180 = arith.constant 0 : i32
      %dma_start3A_181 = tpu.memref_slice %arg3[%squeeze3A_173, %dma_start3A_180] : memref<100001x64xf32, #tpu.memory_space<hbm>> -> memref<1x64xf32, #tpu.memory_space<hbm>>
      tpu.enqueue_dma source(%dma_start3A_181 : memref<1x64xf32, #tpu.memory_space<hbm>>) target(%dma_start3A_179 : memref<1x64xf32, #tpu.memory_space<vmem>>) target_semaphore(%arg7 : memref<!tpu.dma_semaphore, #tpu.memory_space<semaphore_mem>>)
      %mul3A_182 = arith.constant 16 : i32
      %mul3A_183 = arith.muli %scan3A_12, %mul3A_182 : i32
      %add3A_184 = arith.constant 12 : i32
      %add3A_185 = arith.addi %mul3A_183, %add3A_184 : i32
      %slice3A_186 = vector.extract_strided_slice %get3A_16 {offsets = [12], sizes = [1], strides = [1]} : vector<16xi32> to vector<1xi32>
      %squeeze3A_187 = vector.extract %slice3A_186[0] : i32 from vector<1xi32>
      %dma_start3A_188 = arith.constant 0 : i32
      %dma_start3A_189 = tpu.memref_slice %arg6[%add3A_185, %dma_start3A_188] : memref<512x64xf32, #tpu.memory_space<vmem>> -> memref<1x64xf32, #tpu.memory_space<vmem>>
      %dma_start3A_190 = arith.constant 0 : i32
      %dma_start3A_191 = tpu.memref_slice %arg3[%squeeze3A_187, %dma_start3A_190] : memref<100001x64xf32, #tpu.memory_space<hbm>> -> memref<1x64xf32, #tpu.memory_space<hbm>>
      %dma_start3A_192 = arith.constant 0 : i32
      %dma_start3A_193 = tpu.memref_slice %arg6[%add3A_185, %dma_start3A_192] : memref<512x64xf32, #tpu.memory_space<vmem>> -> memref<1x64xf32, #tpu.memory_space<vmem>>
      %dma_start3A_194 = arith.constant 0 : i32
      %dma_start3A_195 = tpu.memref_slice %arg3[%squeeze3A_187, %dma_start3A_194] : memref<100001x64xf32, #tpu.memory_space<hbm>> -> memref<1x64xf32, #tpu.memory_space<hbm>>
      tpu.enqueue_dma source(%dma_start3A_195 : memref<1x64xf32, #tpu.memory_space<hbm>>) target(%dma_start3A_193 : memref<1x64xf32, #tpu.memory_space<vmem>>) target_semaphore(%arg7 : memref<!tpu.dma_semaphore, #tpu.memory_space<semaphore_mem>>)
      %mul3A_196 = arith.constant 16 : i32
      %mul3A_197 = arith.muli %scan3A_12, %mul3A_196 : i32
      %add3A_198 = arith.constant 13 : i32
      %add3A_199 = arith.addi %mul3A_197, %add3A_198 : i32
      %slice3A_200 = vector.extract_strided_slice %get3A_16 {offsets = [13], sizes = [1], strides = [1]} : vector<16xi32> to vector<1xi32>
      %squeeze3A_201 = vector.extract %slice3A_200[0] : i32 from vector<1xi32>
      %dma_start3A_202 = arith.constant 0 : i32
      %dma_start3A_203 = tpu.memref_slice %arg6[%add3A_199, %dma_start3A_202] : memref<512x64xf32, #tpu.memory_space<vmem>> -> memref<1x64xf32, #tpu.memory_space<vmem>>
      %dma_start3A_204 = arith.constant 0 : i32
      %dma_start3A_205 = tpu.memref_slice %arg3[%squeeze3A_201, %dma_start3A_204] : memref<100001x64xf32, #tpu.memory_space<hbm>> -> memref<1x64xf32, #tpu.memory_space<hbm>>
      %dma_start3A_206 = arith.constant 0 : i32
      %dma_start3A_207 = tpu.memref_slice %arg6[%add3A_199, %dma_start3A_206] : memref<512x64xf32, #tpu.memory_space<vmem>> -> memref<1x64xf32, #tpu.memory_space<vmem>>
      %dma_start3A_208 = arith.constant 0 : i32
      %dma_start3A_209 = tpu.memref_slice %arg3[%squeeze3A_201, %dma_start3A_208] : memref<100001x64xf32, #tpu.memory_space<hbm>> -> memref<1x64xf32, #tpu.memory_space<hbm>>
      tpu.enqueue_dma source(%dma_start3A_209 : memref<1x64xf32, #tpu.memory_space<hbm>>) target(%dma_start3A_207 : memref<1x64xf32, #tpu.memory_space<vmem>>) target_semaphore(%arg7 : memref<!tpu.dma_semaphore, #tpu.memory_space<semaphore_mem>>)
      %mul3A_210 = arith.constant 16 : i32
      %mul3A_211 = arith.muli %scan3A_12, %mul3A_210 : i32
      %add3A_212 = arith.constant 14 : i32
      %add3A_213 = arith.addi %mul3A_211, %add3A_212 : i32
      %slice3A_214 = vector.extract_strided_slice %get3A_16 {offsets = [14], sizes = [1], strides = [1]} : vector<16xi32> to vector<1xi32>
      %squeeze3A_215 = vector.extract %slice3A_214[0] : i32 from vector<1xi32>
      %dma_start3A_216 = arith.constant 0 : i32
      %dma_start3A_217 = tpu.memref_slice %arg6[%add3A_213, %dma_start3A_216] : memref<512x64xf32, #tpu.memory_space<vmem>> -> memref<1x64xf32, #tpu.memory_space<vmem>>
      %dma_start3A_218 = arith.constant 0 : i32
      %dma_start3A_219 = tpu.memref_slice %arg3[%squeeze3A_215, %dma_start3A_218] : memref<100001x64xf32, #tpu.memory_space<hbm>> -> memref<1x64xf32, #tpu.memory_space<hbm>>
      %dma_start3A_220 = arith.constant 0 : i32
      %dma_start3A_221 = tpu.memref_slice %arg6[%add3A_213, %dma_start3A_220] : memref<512x64xf32, #tpu.memory_space<vmem>> -> memref<1x64xf32, #tpu.memory_space<vmem>>
      %dma_start3A_222 = arith.constant 0 : i32
      %dma_start3A_223 = tpu.memref_slice %arg3[%squeeze3A_215, %dma_start3A_222] : memref<100001x64xf32, #tpu.memory_space<hbm>> -> memref<1x64xf32, #tpu.memory_space<hbm>>
      tpu.enqueue_dma source(%dma_start3A_223 : memref<1x64xf32, #tpu.memory_space<hbm>>) target(%dma_start3A_221 : memref<1x64xf32, #tpu.memory_space<vmem>>) target_semaphore(%arg7 : memref<!tpu.dma_semaphore, #tpu.memory_space<semaphore_mem>>)
      %mul3A_224 = arith.constant 16 : i32
      %mul3A_225 = arith.muli %scan3A_12, %mul3A_224 : i32
      %add3A_226 = arith.constant 15 : i32
      %add3A_227 = arith.addi %mul3A_225, %add3A_226 : i32
      %slice3A_228 = vector.extract_strided_slice %get3A_16 {offsets = [15], sizes = [1], strides = [1]} : vector<16xi32> to vector<1xi32>
      %squeeze3A_229 = vector.extract %slice3A_228[0] : i32 from vector<1xi32>
      %dma_start3A_230 = arith.constant 0 : i32
      %dma_start3A_231 = tpu.memref_slice %arg6[%add3A_227, %dma_start3A_230] : memref<512x64xf32, #tpu.memory_space<vmem>> -> memref<1x64xf32, #tpu.memory_space<vmem>>
      %dma_start3A_232 = arith.constant 0 : i32
      %dma_start3A_233 = tpu.memref_slice %arg3[%squeeze3A_229, %dma_start3A_232] : memref<100001x64xf32, #tpu.memory_space<hbm>> -> memref<1x64xf32, #tpu.memory_space<hbm>>
      %dma_start3A_234 = arith.constant 0 : i32
      %dma_start3A_235 = tpu.memref_slice %arg6[%add3A_227, %dma_start3A_234] : memref<512x64xf32, #tpu.memory_space<vmem>> -> memref<1x64xf32, #tpu.memory_space<vmem>>
      %dma_start3A_236 = arith.constant 0 : i32
      %dma_start3A_237 = tpu.memref_slice %arg3[%squeeze3A_229, %dma_start3A_236] : memref<100001x64xf32, #tpu.memory_space<hbm>> -> memref<1x64xf32, #tpu.memory_space<hbm>>
      tpu.enqueue_dma source(%dma_start3A_237 : memref<1x64xf32, #tpu.memory_space<hbm>>) target(%dma_start3A_235 : memref<1x64xf32, #tpu.memory_space<vmem>>) target_semaphore(%arg7 : memref<!tpu.dma_semaphore, #tpu.memory_space<semaphore_mem>>)
    }
    %scan3A_6 = arith.constant 32 : i32
    %dma_wait3A = arith.constant 0 : i32
    %dma_wait3A_7 = arith.constant 0 : i32
    %dma_wait3A_8 = tpu.memref_slice %arg3[%dma_wait3A, %dma_wait3A_7] : memref<100001x64xf32, #tpu.memory_space<hbm>> -> memref<512x64xf32, #tpu.memory_space<hbm>>
    %dma_wait3A_9 = arith.constant 0 : i32
    %dma_wait3A_10 = arith.constant 0 : i32
    %dma_wait3A_11 = tpu.memref_slice %arg3[%dma_wait3A_9, %dma_wait3A_10] : memref<100001x64xf32, #tpu.memory_space<hbm>> -> memref<512x64xf32, #tpu.memory_space<hbm>>
    tpu.wait_dma2 semaphore(%arg7 : memref<!tpu.dma_semaphore, #tpu.memory_space<semaphore_mem>>) src(%dma_wait3A_11 : memref<512x64xf32, #tpu.memory_space<hbm>>) dst(%arg6 : memref<512x64xf32, #tpu.memory_space<vmem>>)
    "tpu.region"() ({
      %run_scoped3A = tpu.sem_alloc : memref<!tpu.dma_semaphore, #tpu.memory_space<semaphore_mem>>
      %dma_start3A = arith.constant 0 : i32
      %dma_start3A_12 = tpu.memref_slice %arg4[%mul3A_2, %dma_start3A] : memref<16384x64xf32, #tpu.memory_space<hbm>> -> memref<512x64xf32, #tpu.memory_space<hbm>>
      %dma_start3A_13 = arith.constant 0 : i32
      %dma_start3A_14 = tpu.memref_slice %arg4[%mul3A_2, %dma_start3A_13] : memref<16384x64xf32, #tpu.memory_space<hbm>> -> memref<512x64xf32, #tpu.memory_space<hbm>>
      tpu.enqueue_dma source(%arg6 : memref<512x64xf32, #tpu.memory_space<vmem>>) target(%dma_start3A_14 : memref<512x64xf32, #tpu.memory_space<hbm>>) target_semaphore(%run_scoped3A : memref<!tpu.dma_semaphore, #tpu.memory_space<semaphore_mem>>)
      %dma_wait3A_15 = arith.constant 0 : i32
      %dma_wait3A_16 = tpu.memref_slice %arg4[%mul3A_2, %dma_wait3A_15] : memref<16384x64xf32, #tpu.memory_space<hbm>> -> memref<512x64xf32, #tpu.memory_space<hbm>>
      %dma_wait3A_17 = arith.constant 0 : i32
      %dma_wait3A_18 = tpu.memref_slice %arg4[%mul3A_2, %dma_wait3A_17] : memref<16384x64xf32, #tpu.memory_space<hbm>> -> memref<512x64xf32, #tpu.memory_space<hbm>>
      tpu.wait_dma2 semaphore(%run_scoped3A : memref<!tpu.dma_semaphore, #tpu.memory_space<semaphore_mem>>) src(%arg6 : memref<512x64xf32, #tpu.memory_space<vmem>>) dst(%dma_wait3A_18 : memref<512x64xf32, #tpu.memory_space<hbm>>)
      tpu.yield
    }) : () -> ()
    return
  }
}

#map = affine_map<(d0, d1) -> (0)>
#map1 = affine_map<(d0, d1) -> (0, 0)>
module attributes {stable_mosaic.version = 14 : i64} {
  func.func @k(%arg0: i32, %arg1: i32, %arg2: memref<16384xi32, #tpu.memory_space<hbm>>, %arg3: memref<100001x64xf32, #tpu.memory_space<hbm>>, %arg4: memref<16384x64xf32, #tpu.memory_space<hbm>>, %arg5: memref<512xi32, #tpu.memory_space<vmem>>, %arg6: memref<512x64xf32, #tpu.memory_space<vmem>>, %arg7: memref<!tpu.dma_semaphore, #tpu.memory_space<semaphore_mem>>) attributes {dimension_semantics = [#tpu.dimension_semantics<core_parallel>, #tpu.dimension_semantics<subcore_parallel>], iteration_bounds = array<i64: 2, 16>, scalar_prefetch = 0 : i64, scratch_operands = 3 : i64, tpu.core_type = #tpu.core_type<sc_vector_subcore>, window_params = [{transform_indices = #map}, {transform_indices = #map1}, {transform_indices = #map1}]} {
    %mul3A = arith.constant 2 : i32
    %mul3A_0 = arith.muli %arg1, %mul3A : i32
    %add3A = arith.addi %mul3A_0, %arg0 : i32
    %mul3A_1 = arith.constant 512 : i32
    %mul3A_2 = arith.muli %add3A, %mul3A_1 : i32
    "tpu.region"() ({
      %run_scoped3A = tpu.sem_alloc : memref<!tpu.dma_semaphore, #tpu.memory_space<semaphore_mem>>
      %dma_start3A = tpu.memref_slice %arg2[%mul3A_2] : memref<16384xi32, #tpu.memory_space<hbm>> -> memref<512xi32, #tpu.memory_space<hbm>>
      %dma_start3A_12 = tpu.memref_slice %arg2[%mul3A_2] : memref<16384xi32, #tpu.memory_space<hbm>> -> memref<512xi32, #tpu.memory_space<hbm>>
      tpu.enqueue_dma source(%dma_start3A_12 : memref<512xi32, #tpu.memory_space<hbm>>) target(%arg5 : memref<512xi32, #tpu.memory_space<vmem>>) target_semaphore(%run_scoped3A : memref<!tpu.dma_semaphore, #tpu.memory_space<semaphore_mem>>)
      %dma_wait3A_13 = tpu.memref_slice %arg2[%mul3A_2] : memref<16384xi32, #tpu.memory_space<hbm>> -> memref<512xi32, #tpu.memory_space<hbm>>
      %dma_wait3A_14 = tpu.memref_slice %arg2[%mul3A_2] : memref<16384xi32, #tpu.memory_space<hbm>> -> memref<512xi32, #tpu.memory_space<hbm>>
      tpu.wait_dma2 semaphore(%run_scoped3A : memref<!tpu.dma_semaphore, #tpu.memory_space<semaphore_mem>>) src(%dma_wait3A_14 : memref<512xi32, #tpu.memory_space<hbm>>) dst(%arg5 : memref<512xi32, #tpu.memory_space<vmem>>)
      tpu.yield
    }) : () -> ()
    %scan3A = arith.constant 0 : i32
    %scan3A_3 = arith.constant 32 : i32
    %scan3A_4 = arith.addi %scan3A, %scan3A_3 : i32
    %scan3A_5 = arith.constant 1 : i32
    scf.for %scan3A_12 = %scan3A to %scan3A_4 step %scan3A_5  : i32 {
      %mul3A_13 = arith.constant 16 : i32
      %mul3A_14 = arith.muli %scan3A_12, %mul3A_13 : i32
      %get3A = arith.index_cast %mul3A_14 : i32 to index
      %get3A_15 = tpu.vector_load %arg5[%get3A] {strides = array<i32>} : memref<512xi32, #tpu.memory_space<vmem>>, vector<16xi32>,
      %get3A_16 = vector.shape_cast %get3A_15 : vector<16xi32> to vector<16xi32>
      %mul3A_17 = arith.constant 16 : i32
      %mul3A_18 = arith.muli %scan3A_12, %mul3A_17 : i32
      %add3A_19 = arith.constant 0 : i32
      %add3A_20 = arith.addi %mul3A_18, %add3A_19 : i32
      %slice3A = vector.extract_strided_slice %get3A_16 {offsets = [0], sizes = [1], strides = [1]} : vector<16xi32> to vector<1xi32>
      %squeeze3A = vector.extract %slice3A[0] : i32 from vector<1xi32>
      %dma_start3A = arith.constant 0 : i32
      %dma_start3A_21 = tpu.memref_slice %arg6[%add3A_20, %dma_start3A] : memref<512x64xf32, #tpu.memory_space<vmem>> -> memref<1x64xf32, #tpu.memory_space<vmem>>
      %dma_start3A_22 = arith.constant 0 : i32
      %dma_start3A_23 = tpu.memref_slice %arg3[%squeeze3A, %dma_start3A_22] : memref<100001x64xf32, #tpu.memory_space<hbm>> -> memref<1x64xf32, #tpu.memory_space<hbm>>
      %dma_start3A_24 = arith.constant 0 : i32
      %dma_start3A_25 = tpu.memref_slice %arg6[%add3A_20, %dma_start3A_24] : memref<512x64xf32, #tpu.memory_space<vmem>> -> memref<1x64xf32, #tpu.memory_space<vmem>>
      %dma_start3A_26 = arith.constant 0 : i32
      %dma_start3A_27 = tpu.memref_slice %arg3[%squeeze3A, %dma_start3A_26] : memref<100001x64xf32, #tpu.memory_space<hbm>> -> memref<1x64xf32, #tpu.memory_space<hbm>>
      tpu.enqueue_dma source(%dma_start3A_27 : memref<1x64xf32, #tpu.memory_space<hbm>>) target(%dma_start3A_25 : memref<1x64xf32, #tpu.memory_space<vmem>>) target_semaphore(%arg7 : memref<!tpu.dma_semaphore, #tpu.memory_space<semaphore_mem>>)
      %mul3A_28 = arith.constant 16 : i32
      %mul3A_29 = arith.muli %scan3A_12, %mul3A_28 : i32
      %add3A_30 = arith.constant 1 : i32
      %add3A_31 = arith.addi %mul3A_29, %add3A_30 : i32
      %slice3A_32 = vector.extract_strided_slice %get3A_16 {offsets = [1], sizes = [1], strides = [1]} : vector<16xi32> to vector<1xi32>
      %squeeze3A_33 = vector.extract %slice3A_32[0] : i32 from vector<1xi32>
      %dma_start3A_34 = arith.constant 0 : i32
      %dma_start3A_35 = tpu.memref_slice %arg6[%add3A_31, %dma_start3A_34] : memref<512x64xf32, #tpu.memory_space<vmem>> -> memref<1x64xf32, #tpu.memory_space<vmem>>
      %dma_start3A_36 = arith.constant 0 : i32
      %dma_start3A_37 = tpu.memref_slice %arg3[%squeeze3A_33, %dma_start3A_36] : memref<100001x64xf32, #tpu.memory_space<hbm>> -> memref<1x64xf32, #tpu.memory_space<hbm>>
      %dma_start3A_38 = arith.constant 0 : i32
      %dma_start3A_39 = tpu.memref_slice %arg6[%add3A_31, %dma_start3A_38] : memref<512x64xf32, #tpu.memory_space<vmem>> -> memref<1x64xf32, #tpu.memory_space<vmem>>
      %dma_start3A_40 = arith.constant 0 : i32
      %dma_start3A_41 = tpu.memref_slice %arg3[%squeeze3A_33, %dma_start3A_40] : memref<100001x64xf32, #tpu.memory_space<hbm>> -> memref<1x64xf32, #tpu.memory_space<hbm>>
      tpu.enqueue_dma source(%dma_start3A_41 : memref<1x64xf32, #tpu.memory_space<hbm>>) target(%dma_start3A_39 : memref<1x64xf32, #tpu.memory_space<vmem>>) target_semaphore(%arg7 : memref<!tpu.dma_semaphore, #tpu.memory_space<semaphore_mem>>)
      %mul3A_42 = arith.constant 16 : i32
      %mul3A_43 = arith.muli %scan3A_12, %mul3A_42 : i32
      %add3A_44 = arith.constant 2 : i32
      %add3A_45 = arith.addi %mul3A_43, %add3A_44 : i32
      %slice3A_46 = vector.extract_strided_slice %get3A_16 {offsets = [2], sizes = [1], strides = [1]} : vector<16xi32> to vector<1xi32>
      %squeeze3A_47 = vector.extract %slice3A_46[0] : i32 from vector<1xi32>
      %dma_start3A_48 = arith.constant 0 : i32
      %dma_start3A_49 = tpu.memref_slice %arg6[%add3A_45, %dma_start3A_48] : memref<512x64xf32, #tpu.memory_space<vmem>> -> memref<1x64xf32, #tpu.memory_space<vmem>>
      %dma_start3A_50 = arith.constant 0 : i32
      %dma_start3A_51 = tpu.memref_slice %arg3[%squeeze3A_47, %dma_start3A_50] : memref<100001x64xf32, #tpu.memory_space<hbm>> -> memref<1x64xf32, #tpu.memory_space<hbm>>
      %dma_start3A_52 = arith.constant 0 : i32
      %dma_start3A_53 = tpu.memref_slice %arg6[%add3A_45, %dma_start3A_52] : memref<512x64xf32, #tpu.memory_space<vmem>> -> memref<1x64xf32, #tpu.memory_space<vmem>>
      %dma_start3A_54 = arith.constant 0 : i32
      %dma_start3A_55 = tpu.memref_slice %arg3[%squeeze3A_47, %dma_start3A_54] : memref<100001x64xf32, #tpu.memory_space<hbm>> -> memref<1x64xf32, #tpu.memory_space<hbm>>
      tpu.enqueue_dma source(%dma_start3A_55 : memref<1x64xf32, #tpu.memory_space<hbm>>) target(%dma_start3A_53 : memref<1x64xf32, #tpu.memory_space<vmem>>) target_semaphore(%arg7 : memref<!tpu.dma_semaphore, #tpu.memory_space<semaphore_mem>>)
      %mul3A_56 = arith.constant 16 : i32
      %mul3A_57 = arith.muli %scan3A_12, %mul3A_56 : i32
      %add3A_58 = arith.constant 3 : i32
      %add3A_59 = arith.addi %mul3A_57, %add3A_58 : i32
      %slice3A_60 = vector.extract_strided_slice %get3A_16 {offsets = [3], sizes = [1], strides = [1]} : vector<16xi32> to vector<1xi32>
      %squeeze3A_61 = vector.extract %slice3A_60[0] : i32 from vector<1xi32>
      %dma_start3A_62 = arith.constant 0 : i32
      %dma_start3A_63 = tpu.memref_slice %arg6[%add3A_59, %dma_start3A_62] : memref<512x64xf32, #tpu.memory_space<vmem>> -> memref<1x64xf32, #tpu.memory_space<vmem>>
      %dma_start3A_64 = arith.constant 0 : i32
      %dma_start3A_65 = tpu.memref_slice %arg3[%squeeze3A_61, %dma_start3A_64] : memref<100001x64xf32, #tpu.memory_space<hbm>> -> memref<1x64xf32, #tpu.memory_space<hbm>>
      %dma_start3A_66 = arith.constant 0 : i32
      %dma_start3A_67 = tpu.memref_slice %arg6[%add3A_59, %dma_start3A_66] : memref<512x64xf32, #tpu.memory_space<vmem>> -> memref<1x64xf32, #tpu.memory_space<vmem>>
      %dma_start3A_68 = arith.constant 0 : i32
      %dma_start3A_69 = tpu.memref_slice %arg3[%squeeze3A_61, %dma_start3A_68] : memref<100001x64xf32, #tpu.memory_space<hbm>> -> memref<1x64xf32, #tpu.memory_space<hbm>>
      tpu.enqueue_dma source(%dma_start3A_69 : memref<1x64xf32, #tpu.memory_space<hbm>>) target(%dma_start3A_67 : memref<1x64xf32, #tpu.memory_space<vmem>>) target_semaphore(%arg7 : memref<!tpu.dma_semaphore, #tpu.memory_space<semaphore_mem>>)
      %mul3A_70 = arith.constant 16 : i32
      %mul3A_71 = arith.muli %scan3A_12, %mul3A_70 : i32
      %add3A_72 = arith.constant 4 : i32
      %add3A_73 = arith.addi %mul3A_71, %add3A_72 : i32
      %slice3A_74 = vector.extract_strided_slice %get3A_16 {offsets = [4], sizes = [1], strides = [1]} : vector<16xi32> to vector<1xi32>
      %squeeze3A_75 = vector.extract %slice3A_74[0] : i32 from vector<1xi32>
      %dma_start3A_76 = arith.constant 0 : i32
      %dma_start3A_77 = tpu.memref_slice %arg6[%add3A_73, %dma_start3A_76] : memref<512x64xf32, #tpu.memory_space<vmem>> -> memref<1x64xf32, #tpu.memory_space<vmem>>
      %dma_start3A_78 = arith.constant 0 : i32
      %dma_start3A_79 = tpu.memref_slice %arg3[%squeeze3A_75, %dma_start3A_78] : memref<100001x64xf32, #tpu.memory_space<hbm>> -> memref<1x64xf32, #tpu.memory_space<hbm>>
      %dma_start3A_80 = arith.constant 0 : i32
      %dma_start3A_81 = tpu.memref_slice %arg6[%add3A_73, %dma_start3A_80] : memref<512x64xf32, #tpu.memory_space<vmem>> -> memref<1x64xf32, #tpu.memory_space<vmem>>
      %dma_start3A_82 = arith.constant 0 : i32
      %dma_start3A_83 = tpu.memref_slice %arg3[%squeeze3A_75, %dma_start3A_82] : memref<100001x64xf32, #tpu.memory_space<hbm>> -> memref<1x64xf32, #tpu.memory_space<hbm>>
      tpu.enqueue_dma source(%dma_start3A_83 : memref<1x64xf32, #tpu.memory_space<hbm>>) target(%dma_start3A_81 : memref<1x64xf32, #tpu.memory_space<vmem>>) target_semaphore(%arg7 : memref<!tpu.dma_semaphore, #tpu.memory_space<semaphore_mem>>)
      %mul3A_84 = arith.constant 16 : i32
      %mul3A_85 = arith.muli %scan3A_12, %mul3A_84 : i32
      %add3A_86 = arith.constant 5 : i32
      %add3A_87 = arith.addi %mul3A_85, %add3A_86 : i32
      %slice3A_88 = vector.extract_strided_slice %get3A_16 {offsets = [5], sizes = [1], strides = [1]} : vector<16xi32> to vector<1xi32>
      %squeeze3A_89 = vector.extract %slice3A_88[0] : i32 from vector<1xi32>
      %dma_start3A_90 = arith.constant 0 : i32
      %dma_start3A_91 = tpu.memref_slice %arg6[%add3A_87, %dma_start3A_90] : memref<512x64xf32, #tpu.memory_space<vmem>> -> memref<1x64xf32, #tpu.memory_space<vmem>>
      %dma_start3A_92 = arith.constant 0 : i32
      %dma_start3A_93 = tpu.memref_slice %arg3[%squeeze3A_89, %dma_start3A_92] : memref<100001x64xf32, #tpu.memory_space<hbm>> -> memref<1x64xf32, #tpu.memory_space<hbm>>
      %dma_start3A_94 = arith.constant 0 : i32
      %dma_start3A_95 = tpu.memref_slice %arg6[%add3A_87, %dma_start3A_94] : memref<512x64xf32, #tpu.memory_space<vmem>> -> memref<1x64xf32, #tpu.memory_space<vmem>>
      %dma_start3A_96 = arith.constant 0 : i32
      %dma_start3A_97 = tpu.memref_slice %arg3[%squeeze3A_89, %dma_start3A_96] : memref<100001x64xf32, #tpu.memory_space<hbm>> -> memref<1x64xf32, #tpu.memory_space<hbm>>
      tpu.enqueue_dma source(%dma_start3A_97 : memref<1x64xf32, #tpu.memory_space<hbm>>) target(%dma_start3A_95 : memref<1x64xf32, #tpu.memory_space<vmem>>) target_semaphore(%arg7 : memref<!tpu.dma_semaphore, #tpu.memory_space<semaphore_mem>>)
      %mul3A_98 = arith.constant 16 : i32
      %mul3A_99 = arith.muli %scan3A_12, %mul3A_98 : i32
      %add3A_100 = arith.constant 6 : i32
      %add3A_101 = arith.addi %mul3A_99, %add3A_100 : i32
      %slice3A_102 = vector.extract_strided_slice %get3A_16 {offsets = [6], sizes = [1], strides = [1]} : vector<16xi32> to vector<1xi32>
      %squeeze3A_103 = vector.extract %slice3A_102[0] : i32 from vector<1xi32>
      %dma_start3A_104 = arith.constant 0 : i32
      %dma_start3A_105 = tpu.memref_slice %arg6[%add3A_101, %dma_start3A_104] : memref<512x64xf32, #tpu.memory_space<vmem>> -> memref<1x64xf32, #tpu.memory_space<vmem>>
      %dma_start3A_106 = arith.constant 0 : i32
      %dma_start3A_107 = tpu.memref_slice %arg3[%squeeze3A_103, %dma_start3A_106] : memref<100001x64xf32, #tpu.memory_space<hbm>> -> memref<1x64xf32, #tpu.memory_space<hbm>>
      %dma_start3A_108 = arith.constant 0 : i32
      %dma_start3A_109 = tpu.memref_slice %arg6[%add3A_101, %dma_start3A_108] : memref<512x64xf32, #tpu.memory_space<vmem>> -> memref<1x64xf32, #tpu.memory_space<vmem>>
      %dma_start3A_110 = arith.constant 0 : i32
      %dma_start3A_111 = tpu.memref_slice %arg3[%squeeze3A_103, %dma_start3A_110] : memref<100001x64xf32, #tpu.memory_space<hbm>> -> memref<1x64xf32, #tpu.memory_space<hbm>>
      tpu.enqueue_dma source(%dma_start3A_111 : memref<1x64xf32, #tpu.memory_space<hbm>>) target(%dma_start3A_109 : memref<1x64xf32, #tpu.memory_space<vmem>>) target_semaphore(%arg7 : memref<!tpu.dma_semaphore, #tpu.memory_space<semaphore_mem>>)
      %mul3A_112 = arith.constant 16 : i32
      %mul3A_113 = arith.muli %scan3A_12, %mul3A_112 : i32
      %add3A_114 = arith.constant 7 : i32
      %add3A_115 = arith.addi %mul3A_113, %add3A_114 : i32
      %slice3A_116 = vector.extract_strided_slice %get3A_16 {offsets = [7], sizes = [1], strides = [1]} : vector<16xi32> to vector<1xi32>
      %squeeze3A_117 = vector.extract %slice3A_116[0] : i32 from vector<1xi32>
      %dma_start3A_118 = arith.constant 0 : i32
      %dma_start3A_119 = tpu.memref_slice %arg6[%add3A_115, %dma_start3A_118] : memref<512x64xf32, #tpu.memory_space<vmem>> -> memref<1x64xf32, #tpu.memory_space<vmem>>
      %dma_start3A_120 = arith.constant 0 : i32
      %dma_start3A_121 = tpu.memref_slice %arg3[%squeeze3A_117, %dma_start3A_120] : memref<100001x64xf32, #tpu.memory_space<hbm>> -> memref<1x64xf32, #tpu.memory_space<hbm>>
      %dma_start3A_122 = arith.constant 0 : i32
      %dma_start3A_123 = tpu.memref_slice %arg6[%add3A_115, %dma_start3A_122] : memref<512x64xf32, #tpu.memory_space<vmem>> -> memref<1x64xf32, #tpu.memory_space<vmem>>
      %dma_start3A_124 = arith.constant 0 : i32
      %dma_start3A_125 = tpu.memref_slice %arg3[%squeeze3A_117, %dma_start3A_124] : memref<100001x64xf32, #tpu.memory_space<hbm>> -> memref<1x64xf32, #tpu.memory_space<hbm>>
      tpu.enqueue_dma source(%dma_start3A_125 : memref<1x64xf32, #tpu.memory_space<hbm>>) target(%dma_start3A_123 : memref<1x64xf32, #tpu.memory_space<vmem>>) target_semaphore(%arg7 : memref<!tpu.dma_semaphore, #tpu.memory_space<semaphore_mem>>)
      %mul3A_126 = arith.constant 16 : i32
      %mul3A_127 = arith.muli %scan3A_12, %mul3A_126 : i32
      %add3A_128 = arith.constant 8 : i32
      %add3A_129 = arith.addi %mul3A_127, %add3A_128 : i32
      %slice3A_130 = vector.extract_strided_slice %get3A_16 {offsets = [8], sizes = [1], strides = [1]} : vector<16xi32> to vector<1xi32>
      %squeeze3A_131 = vector.extract %slice3A_130[0] : i32 from vector<1xi32>
      %dma_start3A_132 = arith.constant 0 : i32
      %dma_start3A_133 = tpu.memref_slice %arg6[%add3A_129, %dma_start3A_132] : memref<512x64xf32, #tpu.memory_space<vmem>> -> memref<1x64xf32, #tpu.memory_space<vmem>>
      %dma_start3A_134 = arith.constant 0 : i32
      %dma_start3A_135 = tpu.memref_slice %arg3[%squeeze3A_131, %dma_start3A_134] : memref<100001x64xf32, #tpu.memory_space<hbm>> -> memref<1x64xf32, #tpu.memory_space<hbm>>
      %dma_start3A_136 = arith.constant 0 : i32
      %dma_start3A_137 = tpu.memref_slice %arg6[%add3A_129, %dma_start3A_136] : memref<512x64xf32, #tpu.memory_space<vmem>> -> memref<1x64xf32, #tpu.memory_space<vmem>>
      %dma_start3A_138 = arith.constant 0 : i32
      %dma_start3A_139 = tpu.memref_slice %arg3[%squeeze3A_131, %dma_start3A_138] : memref<100001x64xf32, #tpu.memory_space<hbm>> -> memref<1x64xf32, #tpu.memory_space<hbm>>
      tpu.enqueue_dma source(%dma_start3A_139 : memref<1x64xf32, #tpu.memory_space<hbm>>) target(%dma_start3A_137 : memref<1x64xf32, #tpu.memory_space<vmem>>) target_semaphore(%arg7 : memref<!tpu.dma_semaphore, #tpu.memory_space<semaphore_mem>>)
      %mul3A_140 = arith.constant 16 : i32
      %mul3A_141 = arith.muli %scan3A_12, %mul3A_140 : i32
      %add3A_142 = arith.constant 9 : i32
      %add3A_143 = arith.addi %mul3A_141, %add3A_142 : i32
      %slice3A_144 = vector.extract_strided_slice %get3A_16 {offsets = [9], sizes = [1], strides = [1]} : vector<16xi32> to vector<1xi32>
      %squeeze3A_145 = vector.extract %slice3A_144[0] : i32 from vector<1xi32>
      %dma_start3A_146 = arith.constant 0 : i32
      %dma_start3A_147 = tpu.memref_slice %arg6[%add3A_143, %dma_start3A_146] : memref<512x64xf32, #tpu.memory_space<vmem>> -> memref<1x64xf32, #tpu.memory_space<vmem>>
      %dma_start3A_148 = arith.constant 0 : i32
      %dma_start3A_149 = tpu.memref_slice %arg3[%squeeze3A_145, %dma_start3A_148] : memref<100001x64xf32, #tpu.memory_space<hbm>> -> memref<1x64xf32, #tpu.memory_space<hbm>>
      %dma_start3A_150 = arith.constant 0 : i32
      %dma_start3A_151 = tpu.memref_slice %arg6[%add3A_143, %dma_start3A_150] : memref<512x64xf32, #tpu.memory_space<vmem>> -> memref<1x64xf32, #tpu.memory_space<vmem>>
      %dma_start3A_152 = arith.constant 0 : i32
      %dma_start3A_153 = tpu.memref_slice %arg3[%squeeze3A_145, %dma_start3A_152] : memref<100001x64xf32, #tpu.memory_space<hbm>> -> memref<1x64xf32, #tpu.memory_space<hbm>>
      tpu.enqueue_dma source(%dma_start3A_153 : memref<1x64xf32, #tpu.memory_space<hbm>>) target(%dma_start3A_151 : memref<1x64xf32, #tpu.memory_space<vmem>>) target_semaphore(%arg7 : memref<!tpu.dma_semaphore, #tpu.memory_space<semaphore_mem>>)
      %mul3A_154 = arith.constant 16 : i32
      %mul3A_155 = arith.muli %scan3A_12, %mul3A_154 : i32
      %add3A_156 = arith.constant 10 : i32
      %add3A_157 = arith.addi %mul3A_155, %add3A_156 : i32
      %slice3A_158 = vector.extract_strided_slice %get3A_16 {offsets = [10], sizes = [1], strides = [1]} : vector<16xi32> to vector<1xi32>
      %squeeze3A_159 = vector.extract %slice3A_158[0] : i32 from vector<1xi32>
      %dma_start3A_160 = arith.constant 0 : i32
      %dma_start3A_161 = tpu.memref_slice %arg6[%add3A_157, %dma_start3A_160] : memref<512x64xf32, #tpu.memory_space<vmem>> -> memref<1x64xf32, #tpu.memory_space<vmem>>
      %dma_start3A_162 = arith.constant 0 : i32
      %dma_start3A_163 = tpu.memref_slice %arg3[%squeeze3A_159, %dma_start3A_162] : memref<100001x64xf32, #tpu.memory_space<hbm>> -> memref<1x64xf32, #tpu.memory_space<hbm>>
      %dma_start3A_164 = arith.constant 0 : i32
      %dma_start3A_165 = tpu.memref_slice %arg6[%add3A_157, %dma_start3A_164] : memref<512x64xf32, #tpu.memory_space<vmem>> -> memref<1x64xf32, #tpu.memory_space<vmem>>
      %dma_start3A_166 = arith.constant 0 : i32
      %dma_start3A_167 = tpu.memref_slice %arg3[%squeeze3A_159, %dma_start3A_166] : memref<100001x64xf32, #tpu.memory_space<hbm>> -> memref<1x64xf32, #tpu.memory_space<hbm>>
      tpu.enqueue_dma source(%dma_start3A_167 : memref<1x64xf32, #tpu.memory_space<hbm>>) target(%dma_start3A_165 : memref<1x64xf32, #tpu.memory_space<vmem>>) target_semaphore(%arg7 : memref<!tpu.dma_semaphore, #tpu.memory_space<semaphore_mem>>)
      %mul3A_168 = arith.constant 16 : i32
      %mul3A_169 = arith.muli %scan3A_12, %mul3A_168 : i32
      %add3A_170 = arith.constant 11 : i32
      %add3A_171 = arith.addi %mul3A_169, %add3A_170 : i32
      %slice3A_172 = vector.extract_strided_slice %get3A_16 {offsets = [11], sizes = [1], strides = [1]} : vector<16xi32> to vector<1xi32>
      %squeeze3A_173 = vector.extract %slice3A_172[0] : i32 from vector<1xi32>
      %dma_start3A_174 = arith.constant 0 : i32
      %dma_start3A_175 = tpu.memref_slice %arg6[%add3A_171, %dma_start3A_174] : memref<512x64xf32, #tpu.memory_space<vmem>> -> memref<1x64xf32, #tpu.memory_space<vmem>>
      %dma_start3A_176 = arith.constant 0 : i32
      %dma_start3A_177 = tpu.memref_slice %arg3[%squeeze3A_173, %dma_start3A_176] : memref<100001x64xf32, #tpu.memory_space<hbm>> -> memref<1x64xf32, #tpu.memory_space<hbm>>
      %dma_start3A_178 = arith.constant 0 : i32
      %dma_start3A_179 = tpu.memref_slice %arg6[%add3A_171, %dma_start3A_178] : memref<512x64xf32, #tpu.memory_space<vmem>> -> memref<1x64xf32, #tpu.memory_space<vmem>>
      %dma_start3A_180 = arith.constant 0 : i32
      %dma_start3A_181 = tpu.memref_slice %arg3[%squeeze3A_173, %dma_start3A_180] : memref<100001x64xf32, #tpu.memory_space<hbm>> -> memref<1x64xf32, #tpu.memory_space<hbm>>
      tpu.enqueue_dma source(%dma_start3A_181 : memref<1x64xf32, #tpu.memory_space<hbm>>) target(%dma_start3A_179 : memref<1x64xf32, #tpu.memory_space<vmem>>) target_semaphore(%arg7 : memref<!tpu.dma_semaphore, #tpu.memory_space<semaphore_mem>>)
      %mul3A_182 = arith.constant 16 : i32
      %mul3A_183 = arith.muli %scan3A_12, %mul3A_182 : i32
      %add3A_184 = arith.constant 12 : i32
      %add3A_185 = arith.addi %mul3A_183, %add3A_184 : i32
      %slice3A_186 = vector.extract_strided_slice %get3A_16 {offsets = [12], sizes = [1], strides = [1]} : vector<16xi32> to vector<1xi32>
      %squeeze3A_187 = vector.extract %slice3A_186[0] : i32 from vector<1xi32>
      %dma_start3A_188 = arith.constant 0 : i32
      %dma_start3A_189 = tpu.memref_slice %arg6[%add3A_185, %dma_start3A_188] : memref<512x64xf32, #tpu.memory_space<vmem>> -> memref<1x64xf32, #tpu.memory_space<vmem>>
      %dma_start3A_190 = arith.constant 0 : i32
      %dma_start3A_191 = tpu.memref_slice %arg3[%squeeze3A_187, %dma_start3A_190] : memref<100001x64xf32, #tpu.memory_space<hbm>> -> memref<1x64xf32, #tpu.memory_space<hbm>>
      %dma_start3A_192 = arith.constant 0 : i32
      %dma_start3A_193 = tpu.memref_slice %arg6[%add3A_185, %dma_start3A_192] : memref<512x64xf32, #tpu.memory_space<vmem>> -> memref<1x64xf32, #tpu.memory_space<vmem>>
      %dma_start3A_194 = arith.constant 0 : i32
      %dma_start3A_195 = tpu.memref_slice %arg3[%squeeze3A_187, %dma_start3A_194] : memref<100001x64xf32, #tpu.memory_space<hbm>> -> memref<1x64xf32, #tpu.memory_space<hbm>>
      tpu.enqueue_dma source(%dma_start3A_195 : memref<1x64xf32, #tpu.memory_space<hbm>>) target(%dma_start3A_193 : memref<1x64xf32, #tpu.memory_space<vmem>>) target_semaphore(%arg7 : memref<!tpu.dma_semaphore, #tpu.memory_space<semaphore_mem>>)
      %mul3A_196 = arith.constant 16 : i32
      %mul3A_197 = arith.muli %scan3A_12, %mul3A_196 : i32
      %add3A_198 = arith.constant 13 : i32
      %add3A_199 = arith.addi %mul3A_197, %add3A_198 : i32
      %slice3A_200 = vector.extract_strided_slice %get3A_16 {offsets = [13], sizes = [1], strides = [1]} : vector<16xi32> to vector<1xi32>
      %squeeze3A_201 = vector.extract %slice3A_200[0] : i32 from vector<1xi32>
      %dma_start3A_202 = arith.constant 0 : i32
      %dma_start3A_203 = tpu.memref_slice %arg6[%add3A_199, %dma_start3A_202] : memref<512x64xf32, #tpu.memory_space<vmem>> -> memref<1x64xf32, #tpu.memory_space<vmem>>
      %dma_start3A_204 = arith.constant 0 : i32
      %dma_start3A_205 = tpu.memref_slice %arg3[%squeeze3A_201, %dma_start3A_204] : memref<100001x64xf32, #tpu.memory_space<hbm>> -> memref<1x64xf32, #tpu.memory_space<hbm>>
      %dma_start3A_206 = arith.constant 0 : i32
      %dma_start3A_207 = tpu.memref_slice %arg6[%add3A_199, %dma_start3A_206] : memref<512x64xf32, #tpu.memory_space<vmem>> -> memref<1x64xf32, #tpu.memory_space<vmem>>
      %dma_start3A_208 = arith.constant 0 : i32
      %dma_start3A_209 = tpu.memref_slice %arg3[%squeeze3A_201, %dma_start3A_208] : memref<100001x64xf32, #tpu.memory_space<hbm>> -> memref<1x64xf32, #tpu.memory_space<hbm>>
      tpu.enqueue_dma source(%dma_start3A_209 : memref<1x64xf32, #tpu.memory_space<hbm>>) target(%dma_start3A_207 : memref<1x64xf32, #tpu.memory_space<vmem>>) target_semaphore(%arg7 : memref<!tpu.dma_semaphore, #tpu.memory_space<semaphore_mem>>)
      %mul3A_210 = arith.constant 16 : i32
      %mul3A_211 = arith.muli %scan3A_12, %mul3A_210 : i32
      %add3A_212 = arith.constant 14 : i32
      %add3A_213 = arith.addi %mul3A_211, %add3A_212 : i32
      %slice3A_214 = vector.extract_strided_slice %get3A_16 {offsets = [14], sizes = [1], strides = [1]} : vector<16xi32> to vector<1xi32>
      %squeeze3A_215 = vector.extract %slice3A_214[0] : i32 from vector<1xi32>
      %dma_start3A_216 = arith.constant 0 : i32
      %dma_start3A_217 = tpu.memref_slice %arg6[%add3A_213, %dma_start3A_216] : memref<512x64xf32, #tpu.memory_space<vmem>> -> memref<1x64xf32, #tpu.memory_space<vmem>>
      %dma_start3A_218 = arith.constant 0 : i32
      %dma_start3A_219 = tpu.memref_slice %arg3[%squeeze3A_215, %dma_start3A_218] : memref<100001x64xf32, #tpu.memory_space<hbm>> -> memref<1x64xf32, #tpu.memory_space<hbm>>
      %dma_start3A_220 = arith.constant 0 : i32
      %dma_start3A_221 = tpu.memref_slice %arg6[%add3A_213, %dma_start3A_220] : memref<512x64xf32, #tpu.memory_space<vmem>> -> memref<1x64xf32, #tpu.memory_space<vmem>>
      %dma_start3A_222 = arith.constant 0 : i32
      %dma_start3A_223 = tpu.memref_slice %arg3[%squeeze3A_215, %dma_start3A_222] : memref<100001x64xf32, #tpu.memory_space<hbm>> -> memref<1x64xf32, #tpu.memory_space<hbm>>
      tpu.enqueue_dma source(%dma_start3A_223 : memref<1x64xf32, #tpu.memory_space<hbm>>) target(%dma_start3A_221 : memref<1x64xf32, #tpu.memory_space<vmem>>) target_semaphore(%arg7 : memref<!tpu.dma_semaphore, #tpu.memory_space<semaphore_mem>>)
      %mul3A_224 = arith.constant 16 : i32
      %mul3A_225 = arith.muli %scan3A_12, %mul3A_224 : i32
      %add3A_226 = arith.constant 15 : i32
      %add3A_227 = arith.addi %mul3A_225, %add3A_226 : i32
      %slice3A_228 = vector.extract_strided_slice %get3A_16 {offsets = [15], sizes = [1], strides = [1]} : vector<16xi32> to vector<1xi32>
      %squeeze3A_229 = vector.extract %slice3A_228[0] : i32 from vector<1xi32>
      %dma_start3A_230 = arith.constant 0 : i32
      %dma_start3A_231 = tpu.memref_slice %arg6[%add3A_227, %dma_start3A_230] : memref<512x64xf32, #tpu.memory_space<vmem>> -> memref<1x64xf32, #tpu.memory_space<vmem>>
      %dma_start3A_232 = arith.constant 0 : i32
      %dma_start3A_233 = tpu.memref_slice %arg3[%squeeze3A_229, %dma_start3A_232] : memref<100001x64xf32, #tpu.memory_space<hbm>> -> memref<1x64xf32, #tpu.memory_space<hbm>>
      %dma_start3A_234 = arith.constant 0 : i32
      %dma_start3A_235 = tpu.memref_slice %arg6[%add3A_227, %dma_start3A_234] : memref<512x64xf32, #tpu.memory_space<vmem>> -> memref<1x64xf32, #tpu.memory_space<vmem>>
      %dma_start3A_236 = arith.constant 0 : i32
      %dma_start3A_237 = tpu.memref_slice %arg3[%squeeze3A_229, %dma_start3A_236] : memref<100001x64xf32, #tpu.memory_space<hbm>> -> memref<1x64xf32, #tpu.memory_space<hbm>>
      tpu.enqueue_dma source(%dma_start3A_237 : memref<1x64xf32, #tpu.memory_space<hbm>>) target(%dma_start3A_235 : memref<1x64xf32, #tpu.memory_space<vmem>>) target_semaphore(%arg7 : memref<!tpu.dma_semaphore, #tpu.memory_space<semaphore_mem>>)
    }
    %scan3A_6 = arith.constant 32 : i32
    %dma_wait3A = arith.constant 0 : i32
    %dma_wait3A_7 = arith.constant 0 : i32
    %dma_wait3A_8 = tpu.memref_slice %arg3[%dma_wait3A, %dma_wait3A_7] : memref<100001x64xf32, #tpu.memory_space<hbm>> -> memref<512x64xf32, #tpu.memory_space<hbm>>
    %dma_wait3A_9 = arith.constant 0 : i32
    %dma_wait3A_10 = arith.constant 0 : i32
    %dma_wait3A_11 = tpu.memref_slice %arg3[%dma_wait3A_9, %dma_wait3A_10] : memref<100001x64xf32, #tpu.memory_space<hbm>> -> memref<512x64xf32, #tpu.memory_space<hbm>>
    tpu.wait_dma2 semaphore(%arg7 : memref<!tpu.dma_semaphore, #tpu.memory_space<semaphore_mem>>) src(%dma_wait3A_11 : memref<512x64xf32, #tpu.memory_space<hbm>>) dst(%arg6 : memref<512x64xf32, #tpu.memory_space<vmem>>)
    "tpu.region"() ({
      %run_scoped3A = tpu.sem_alloc : memref<!tpu.dma_semaphore, #tpu.memory_space<semaphore_mem>>
      %dma_start3A = arith.constant 0 : i32
      %dma_start3A_12 = tpu.memref_slice %arg4[%mul3A_2, %dma_start3A] : memref<16384x64xf32, #tpu.memory_space<hbm>> -> memref<512x64xf32, #tpu.memory_space<hbm>>
      %dma_start3A_13 = arith.constant 0 : i32
      %dma_start3A_14 = tpu.memref_slice %arg4[%mul3A_2, %dma_start3A_13] : memref<16384x64xf32, #tpu.memory_space<hbm>> -> memref<512x64xf32, #tpu.memory_space<hbm>>
      tpu.enqueue_dma source(%arg6 : memref<512x64xf32, #tpu.memory_space<vmem>>) target(%dma_start3A_14 : memref<512x64xf32, #tpu.memory_space<hbm>>) target_semaphore(%run_scoped3A : memref<!tpu.dma_semaphore, #tpu.memory_space<semaphore_mem>>)
      %dma_wait3A_15 = arith.constant 0 : i32
      %dma_wait3A_16 = tpu.memref_slice %arg4[%mul3A_2, %dma_wait3A_15] : memref<16384x64xf32, #tpu.memory_space<hbm>> -> memref<512x64xf32, #tpu.memory_space<hbm>>
      %dma_wait3A_17 = arith.constant 0 : i32
      %dma_wait3A_18 = tpu.memref_slice %arg4[%mul3A_2, %dma_wait3A_17] : memref<16384x64xf32, #tpu.memory_space<hbm>> -> memref<512x64xf32, #tpu.memory_space<hbm>>
      tpu.wait_dma2 semaphore(%run_scoped3A : memref<!tpu.dma_semaphore, #tpu.memory_space<semaphore_mem>>) src(%arg6 : memref<512x64xf32, #tpu.memory_space<vmem>>) dst(%dma_wait3A_18 : memref<512x64xf32, #tpu.memory_space<hbm>>)
      tpu.yield
    }) : () -> ()
    return
  }
}

</mosaic_0001>

<sc_bundles>
// kernel: kernel.4.cloned.1.call-start
scs
__scs_entry_jumppad:
0x0: {  	(pc) =	sbr.rel $0x88, $3  }
0x1: {  	(tag) =	ssettag $0x0;
	lr =	simm.s32 $0x1  }
0x2: {  	[smem:$0x3F9D] =	sst lr;
	_ =	strace $0xD0000000  }
0x3: {  	_ = 	snop  }
0x4: {  	_ = 	snop  }
0x5: {  	_ = 	snop  }
0x6: {  	_ = 	snop  }
0x7: {  	_ = 	snop  }
__scs_overlays_trampoline_lowered:
0x8: {  	[smem:$0x3FAC] =	sst s0  }
0x9: {  	[smem:$0x3FAD] =	sst s1  }
0xa: {  	[smem:$0x3FAE] =	sst s2  }
0xb: {  	[smem:$0x3FAF] =	sst s3  }
0xc: {  	[smem:$0x3FB0] =	sst s4  }
0xd: {  	[smem:$0x3FB1] =	sst s5  }
0xe: {  	[smem:$0x3FB2] =	sst s6  }
0xf: {  	[smem:$0x3FB3] =	sst s7  }
0x10: {  	[smem:$0x3FB4] =	sst s8  }
0x11: {  	[smem:$0x3FB5] =	sst s9;
	s0 =	simm.s32 @!p0 $0x0  }
0x12: {  	s1 =	sld [smem:$0x3F9B];
	s0 =	simm.s32 @p0 $0x1  }
0x13: {  	[smem:$0x3FB6] =	sst s0;
	s0 =	simm.s32 @!p1 $0x0  }
0x14: {  	s2 =	sld [smem:$0x3F9A];
	s0 =	simm.s32 @p1 $0x1  }
0x15: {  	[smem:$0x3FB7] =	sst s0;
	s0 =	simm.s32 @!p2 $0x0  }
0x16: {  	s3 =	sld [smem:$0x3FDB];
	s0 =	simm.s32 @p2 $0x1  }
0x17: {  	s4 =	simm.s32 $0x1BF5;
	[smem:$0x3FB9] =	sst s0  }
0x18: {  	s0 =	sld [smem:$0x3F9C];
	_ =	swait.ge [sflag:s4], $0x0  }
0x19: {  	s7 =	sld [smem:$0x3F9D]  }
0x1a: {  	s8 =	sadd.s32 $0xFFFFE003, lr  }
0x1b: {  	s9 =	sadd.s32 $0xFFFFFEF7, lr;
	s5 =	simm.s32 $0xFFFFFFFF;
	p2 =	slt.u32 s8, $0xFFFFF086  }
0x1c: {  	p1 =	slt.u32 s9, $0xF7A;
	s5 =	simm.s32 @!p2 $0x0  }
0x1d: {  	s5 =	simm.s32 @p1 $0x1;
	p0 =	seq.s32 s7, s2  }
0x1e: {  	s7 =	smul.u32 @!p0 $0xF7A, s2;
	p2 =	seq.s32 @!p0 s5, $0x0  }
0x1f: {  	s9 =	smul.u32 $0xF7A, s1;
	s8 =	simm.s32 @!p0 $0x1BF5;
	p2 =	por !p2, p0  }
0x20: {  	[sflag:s8] =	ssyncset.s32 @!p0 $0xFFFFF086;
	s6 =	sadd.s32 @!p0 s3, s7;
	s7 =	simm.s32 @!p0 $0x108  }
0x21: {  	s3 =	sadd.s32 s3, s9;
	s6 =	sadd.s32 @!p0 $0x88, s6;
	s7 =	simm.s32 @p2 $0x1082  }
0x22: {  	[simem:s7], [sflag:s8] =	dma.local @!p0 [hbm:s6], $0xF7A  }
0x23: {  	s9 =	sor.u32 $0xD0000000, s2;
	s6 =	simm.s32 $0x108;
	_ =	swait.ge @!p0 [sflag:s8], $0x0  }
0x24: {  	s3 =	sadd.s32 $0x88, s3;
	s6 =	simm.s32 @!p1 $0x1082;
	[sflag:s4] =	ssyncset.s32 $0xFFFFF086  }
0x25: {  	[simem:s6], [sflag:s4] =	dma.local [hbm:s3], $0xF7A  }
0x26: {  	[smem:$0x3F9D] =	sst s1;
	(tag) =	ssettag s2;
	_ =	strace s9  }
0x27: {  	s1 =	sld [smem:$0x3FAD]  }
0x28: {  	s2 =	sld [smem:$0x3FAE]  }
0x29: {  	s4 =	sld [smem:$0x3FB0]  }
0x2a: {  	p0 =	seq.s32 s5, $0x0;
	s5 =	sld [smem:$0x3FB1]  }
0x2b: {  	s6 =	sld [smem:$0x3FB2]  }
0x2c: {  	s7 =	sld [smem:$0x3FB3]  }
0x2d: {  	s3 =	simm.s32 $0x108;
	s8 =	sld [smem:$0x3FB4]  }
0x2e: {  	s3 =	simm.s32 @!p0 $0x1082;
	s9 =	sld [smem:$0x3FB5]  }
0x2f: {  	lr =	sadd.s32 s0, s3;
	s0 =	sld [smem:$0x3FAC]  }
0x30: {  	s3 =	sld [smem:$0x3FAF]  }
0x31: {  	[smem:$0x3FB8] =	sst s10  }
0x32: {  	s10 =	sld [smem:$0x3FB6];
	_ =	sdelay $0x3  }
0x33: {  	p0 =	seq.s32 s10, $0x1;
	s10 =	sld [smem:$0x3FB8];
	_ =	sdelay $0x3  }
0x34: {  	[smem:$0x3FB8] =	sst s10  }
0x35: {  	s10 =	sld [smem:$0x3FB7];
	_ =	sdelay $0x3  }
0x36: {  	p1 =	seq.s32 s10, $0x1;
	s10 =	sld [smem:$0x3FB8];
	_ =	sdelay $0x3  }
0x37: {  	[smem:$0x3FB8] =	sst s10  }
0x38: {  	s10 =	sld [smem:$0x3FB9]  }
0x39: {  	_ = 	snop;
	(pc) =	sbr.ind lr, $3  }
0x3a: {  	_ = 	snop  }
0x3b: {  	_ = 	snop  }
0x3c: {  	p2 =	seq.s32 s10, $0x1;
	s10 =	sld [smem:$0x3FB8]  }
0x3d: {  	_ =	shalt  }
0x3e: {  	_ =	shalt  }
0x3f: {  	_ =	shalt  }
0x40: {  	_ =	shalt  }
0x41: {  	_ =	shalt  }
0x42: {  	_ =	shalt  }
0x43: {  	_ =	shalt  }
0x44: {  	_ =	shalt  }
0x45: {  	_ =	shalt  }
0x46: {  	_ =	shalt  }
0x47: {  	_ =	shalt  }
0x48: {  	_ =	shalt  }
0x49: {  	_ =	shalt  }
0x4a: {  	_ =	shalt  }
0x4b: {  	_ =	shalt  }
0x4c: {  	_ =	shalt  }
0x4d: {  	_ =	shalt  }
0x4e: {  	_ =	shalt  }
0x4f: {  	_ =	shalt  }
0x50: {  	_ =	shalt  }
0x51: {  	_ =	shalt  }
0x52: {  	_ =	shalt  }
0x53: {  	_ =	shalt  }
0x54: {  	_ =	shalt  }
0x55: {  	_ =	shalt  }
0x56: {  	_ =	shalt  }
0x57: {  	_ =	shalt  }
0x58: {  	_ =	shalt  }
0x59: {  	_ =	shalt  }
0x5a: {  	_ =	shalt  }
0x5b: {  	_ =	shalt  }
0x5c: {  	_ =	shalt  }
0x5d: {  	_ =	shalt  }
0x5e: {  	_ =	shalt  }
0x5f: {  	_ =	shalt  }
0x60: {  	_ =	shalt  }
0x61: {  	_ =	shalt  }
0x62: {  	_ =	shalt  }
0x63: {  	_ =	shalt  }
0x64: {  	_ =	shalt  }
0x65: {  	_ =	shalt  }
0x66: {  	_ =	shalt  }
0x67: {  	_ =	shalt  }
0x68: {  	_ =	shalt  }
0x69: {  	_ =	shalt  }
0x6a: {  	_ =	shalt  }
0x6b: {  	_ =	shalt  }
0x6c: {  	_ =	shalt  }
0x6d: {  	_ =	shalt  }
0x6e: {  	_ =	shalt  }
0x6f: {  	_ =	shalt  }
0x70: {  	_ =	shalt  }
0x71: {  	_ =	shalt  }
0x72: {  	_ =	shalt  }
0x73: {  	_ =	shalt  }
0x74: {  	_ =	shalt  }
0x75: {  	_ =	shalt  }
0x76: {  	_ =	shalt  }
0x77: {  	_ =	shalt  }
0x78: {  	_ =	shalt  }
0x79: {  	_ =	shalt  }
0x7a: {  	_ =	shalt  }
0x7b: {  	_ =	shalt  }
0x7c: {  	_ =	shalt  }
0x7d: {  	_ =	shalt  }
0x7e: {  	_ =	shalt  }
0x7f: {  	_ =	shalt  }
0x80: {  	_ =	shalt  }
0x81: {  	_ =	shalt  }
0x82: {  	_ =	shalt  }
0x83: {  	_ =	shalt  }
0x84: {  	_ =	shalt  }
0x85: {  	_ =	shalt  }
0x86: {  	_ =	shalt  }
0x87: {  	_ =	shalt  }
.Lfunc_end0:
.L_simem_size_0:
called_computation_lowered:
.L_overlay_start_0:
0x88: {  	s2 =	sld [smem:$0x3FD9]  }
0x89: {  	s3 =	sld [smem:$0x3FFE];
	_ =	sdelay $0x1  }
0x8a: {  	s1 =	srdreg.scid  }
0x8b: {  	s0 =	sand.u32 $0x1, s1  }
0x8c: {  	s17 =	sshll.u32 s0, $0xA;
	s2 =	sadd.s32 s3, s2  }
0x8d: {  	s2 =	sadd.s32 s2, s17  }
0x8e: {  	[smem:$0x3FC4] =	sst s2  }
0x8f: {  	_ = 	snop  }
0x90: {  	s2 =	sld [smem:$0x3FC9];
	(tm) =	ssettm $0x1  }
0x91: {  	s18 =	sld [smem:$0x3FFB];
	_ =	sdelay $0x3  }
0x92: {  	_ =	strace s18  }
0x93: {  	s3 =	sld [smem:$0x3FFC];
	_ =	sdelay $0x3  }
0x94: {  	_ =	strace s3  }
0x95: {  	s3 =	sld [smem:$0x3FFD];
	_ =	sdelay $0x3  }
0x96: {  	_ =	strace s3  }
0x97: {  	_ =	strace $0x8FFFFFFF  }
0x98: {  	s19 =	sld [smem:$0x3FDB];
	_ =	sdelay $0x1  }
0x99: {  	s4 =	simm.s32 $_scs_section_size  }
0x9a: {  	s5 =	simm.s32 $_size__tile_overlayer_lowered;
	s6 =	simm.s32 $_tile_overlayer_lowered  }
0x9b: {  	s22 =	simm.s32 $0x1BFF;
	s21 =	sshll.u32 s6, $0x1;
	s3 =	sadd.s32 s4, s19  }
0x9c: {  	s7 =	simm.s32 $0x0;
	s20 =	sshll.u32 s5, $0x1;
	s5 =	sadd.s32 s21, s3  }
0x9d: {  	[timem:s7], [sflag:s22] =	dma.local [hbm:s5], s20  }
0x9e: {  	_ =	swait.ge [sflag:s22], s20  }
0x9f: {  	s4 =	ssub.s32 $0x0, s20;
	[sflag:s22] =	ssyncset.done $0x0  }
0xa0: {  	[sflag:s22] =	ssyncadd.s32 s4;
	_ =	sdelay $0x1  }
0xa1: {  	s23 =	simm.s32 $0x1B8B  }
0xa2: {  	_ =	swait.ge [sflag:s23], $0x1  }
0xa3: {  	[sflag:s23] =	ssyncset.done $0x0  }
0xa4: {  	s25 =	simm.s32 $0x1B8E;
	s24 =	sld [smem:$0x3FFE];
	[sflag:s23] =	ssyncadd.s32 $0xFFFFFFFF  }
0xa5: {  	s26 =	simm.s32 $execute0_lowered;
	[smem:$0x3FD2] =	sst s25  }
0xa6: {  	s5 =	sshll.u32 s26, $0x1;
	_ =	strace $0x80000046;
	[dreg:$0x1] =	wrdreg $0xFFFFFFFF  }
0xa7: {  	s28 =	simm.s32 $_size_execute0_lowered;
	s3 =	sadd.s32 s3, s5;
	[dreg:$0x0] =	wrdreg $0x0  }
0xa8: {  	s5 =	sshll.u32 s28, $0x1;
	[dreg:$0x2] =	wrdreg s3  }
0xa9: {  	[dreg:$0x3] =	wrdreg s5  }
0xaa: {  	[dreg:$0x4] =	wrdreg $0xC0  }
0xab: {  	_ =	task [dreg:s7], $0x5FFFF  }
0xac: {  	[dreg:$0x1] =	wrdreg $0xFFFFFFFF  }
0xad: {  	[dreg:$0x0] =	wrdreg $0x60  }
0xae: {  	[dreg:$0x2] =	wrdreg s2  }
0xaf: {  	[dreg:$0x3] =	wrdreg s24  }
0xb0: {  	[dreg:$0x4] =	wrdreg $0x9  }
0xb1: {  	_ =	task.clear_ibuf [dreg:s7], $0x5FFFF;
	_ =	strace $0x90000046  }
0xb2: {  	s29 =	simm.s32 $0x9;
	_ =	strace $0x80000048  }
0xb3: {  	_ =	swait.ge [sflag:s29], $0x1  }
0xb4: {  	[sflag:s29] =	ssyncadd.s32 $0xFFFFFFFF  }
0xb5: {  	_ =	strace $0x90000048  }
0xb6: {  	_ =	sfence  }
0xb7: {  	s30 =	sld [smem:$0x0];
	_ =	sdelay $0x2  }
0xb8: {  	s31 =	sshll.u32 s1, $0xD;
	s1 =	sshrl.u32 s1, $0x2  }
0xb9: {  	s3 =	sand.u32 $0x4000, s31;
	s1 =	sadd.s32 s1, s30  }
0xba: {  	s0 =	sor.u32 s3, s0;
	s1 =	sshll.u32 s1, $0x11  }
0xbb: {  	s0 =	sor.u32 s1, s0  }
0xbc: {  	s0 =	sadd.s32 $0x8F2B, s0  }
0xbd: {  	[sflag:s0] =	ssyncadd.remote.s32 $0x1  }
0xbe: {  	_ =	sfence.sel $0xFFFF  }
0xbf: {  	[dreg:$0x0] =	wrdreg $0xFFFFFFFF;
	(pc) =	sbr.abs _section_cstart, $3  }
0xc0: {  	[dreg:$0x1] =	wrdreg $0xFFFFFFFF  }
0xc1: {  	_ =	task.clear_ibuf [dreg:s7], $0x2FFFF;
	_ =	strace $0x9FFFFFFF  }
0xc2: {  	(tm) =	ssettm $0x7FFFFFFF  }
0xc3: {  	_ =	shalt  }
tec
execute0_lowered:
.L_overlay_start_1:
0x0: {  	(tag) =	ssettag $0x1  }
0x1: {  	s4 =	rddreg [dreg:$0x0]  }
0x2: {  	s5 =	rddreg [dreg:$0x1]  }
0x3: {  	s0 =	rddreg [dreg:$0x2];
	s2 =	simm.s32 $0x0;
	s3 =	srdreg.scid  }
0x4: {  	s1 =	stileid.u32;
	s10 =	simm.s32 $0x0;
	s6 =	sand.u32 $0x1, s3  }
0x5: {  	[smem:$0x7FF] =	sst s2;
	s7 =	sshll.u32 s1, $0xA;
	s8 =	sshll.u32 s6, $0x9  }
0x6: {  	s3 =	sadd.s32 $0x2400, s5;
	s6 =	ssub.s32 $0x2, s6;
	s7 =	sor.u32 s8, s7  }
0x7: {  	_ =	strace $0x80000047;
	s9 =	sshrl.u32 s6, $0x1;
	s8 =	sshll.u32 s7, $0x4  }
0x8: {  	s7 =	sshrl.u32 s7, $0x3;
	s6 =	ssub.s32 s6, s9;
	s9 =	simm.s32 $0x200  }
0x9: {  	s5 =	sadd.s32 s8, s5;
	s4 =	sadd.s32 s4, s7;
	s6 =	smax.u32 s6, $0x1  }
0xa: {  	s7 =	simm.s32 $0x2;
	s8 =	simm.s32 $0x1;
	s5 =	sadd.s32 $0x189000, s5  }
.LBB2_1:
0xb: {  	[tilespmem:s2], [sflag:$0x2] =	stream.linear.gather [hbm4b:s4+s2], $0x200, $0x38;
	[tilespmem:$0x10200] =	vst v63  }
0xc: {  	_ =	swait.ge [sflag:s7], $0x200  }
0xd: {  	[sflag:s7] =	ssyncset.done $0x0  }
0xe: {  	[sflag:s7] =	ssyncadd.s32 $0xFFFFFE00  }
0xf: {  	v0 =	vld [tilespmem:s2+$0x0];
	_ =	sdelay $0x4  }
0x10: {  	v0 =	vshll.u32 v0, $0x4  }
0x11: {  	(v2sf) =	vpush v0, $0x0  }
0x12: {  	(v2sf) =	vpush v0, $0x1  }
0x13: {  	(v2sf) =	vpush v0, $0x2;
	_ =	sdelay $0x1  }
0x14: {  	(v2sf) =	vpush v0, $0x4;
	_ =	sdelay $0x1  }
0x15: {  	(v2sf) =	vpush v0, $0x3  }
0x16: {  	(v2sf) =	vpush v0, $0x5  }
0x17: {  	s12 =	simm.s32 $0x2000;
	s11 =	simm.s32 $0x0;
	s13 =	simm.s32 $0x0;
	(v2sf) =	vpush v0, $0x6  }
.LBB2_2:
0x18: {  	p0 =	sne.s32 s12, $0x3E000  }
0x19: {  	s23 =	sadd.s32 $0x280, s11;
	s17 =	sadd.s32 $0x780, s11;
	s14 =	smov.u32 s12  }
0x1a: {  	s12 =	sadd.s32 $0x2000, s12;
	s20 =	sadd.s32 $0x580, s11;
	s15 =	sadd.s32 $0x800, s11;
	(v2sf) =	vpush v0, $0x7  }
0x1b: {  	s22 =	sadd.s32 $0x480, s11;
	s19 =	sadd.s32 $0x600, s11;
	s16 =	sadd.s32 $0x880, s11  }
0x1c: {  	s24 =	sadd.s32 $0x200, s11;
	s25 =	sadd.s32 $0x400, s11;
	(v2sf) =	vpush v0, $0x8  }
0x1d: {  	s26 =	sadd.s32 $0x500, s11;
	s13 =	sadd.s32 $0x10, s13  }
0x1e: {  	s28 =	sadd.s32 $0x300, s11;
	s18 =	sadd.s32 $0x700, s11;
	s21 =	spop (v2sf);
	(v2sf) =	vpush v0, $0x9  }
0x1f: {  	s29 =	sand.u32 $0x1FFFFFF0, s21;
	s21 =	sadd.s32 $0x680, s11;
	s30 =	spop (v2sf)  }
0x20: {  	s29 =	sadd.s32 s3, s29;
	s30 =	sand.u32 $0x1FFFFFF0, s30;
	s31 =	spop (v2sf);
	(v2sf) =	vpush v0, $0xA  }
0x21: {  	[tilespmem:s24], [sflag:$0x1] =	stream.linear.gather [hbm4b:s29+s2], $0x80, $0x38;
	[tilespmem:$0x10200] =	vst v63  }
0x22: {  	s24 =	sadd.s32 s3, s30;
	s29 =	sadd.s32 $0x380, s11;
	s30 =	spop (v2sf);
	(v2sf) =	vpush v0, $0xB  }
0x23: {  	[tilespmem:s23], [sflag:$0x1] =	stream.linear.gather [hbm4b:s24+s2], $0x80, $0x38;
	[tilespmem:$0x10200] =	vst v63  }
0x24: {  	s23 =	sand.u32 $0x1FFFFFF0, s31;
	s24 =	sand.u32 $0x1FFFFFF0, s30;
	s30 =	spop (v2sf);
	(v2sf) =	vpush v0, $0xC  }
0x25: {  	s23 =	sadd.s32 s3, s23;
	s30 =	sand.u32 $0x1FFFFFF0, s30;
	s31 =	spop (v2sf)  }
0x26: {  	[tilespmem:s28], [sflag:$0x1] =	stream.linear.gather [hbm4b:s23+s2], $0x80, $0x38;
	(v2sf) =	vpush v0, $0xD;
	[tilespmem:$0x10200] =	vst v63  }
0x27: {  	s23 =	sadd.s32 s3, s30;
	s28 =	sand.u32 $0x1FFFFFF0, s31;
	s30 =	spop (v2sf)  }
0x28: {  	[tilespmem:s29], [sflag:$0x1] =	stream.linear.gather [hbm4b:s23+s2], $0x80, $0x38;
	(v2sf) =	vpush v0, $0xE;
	[tilespmem:$0x10200] =	vst v63  }
0x29: {  	s23 =	sadd.s32 s3, s24;
	s24 =	sand.u32 $0x1FFFFFF0, s30;
	s29 =	spop (v2sf)  }
0x2a: {  	[tilespmem:s25], [sflag:$0x1] =	stream.linear.gather [hbm4b:s23+s2], $0x80, $0x38;
	(v2sf) =	vpush v0, $0xF;
	[tilespmem:$0x10200] =	vst v63  }
0x2b: {  	s23 =	sadd.s32 s3, s28;
	s25 =	sand.u32 $0x1FFFFFF0, s29;
	s28 =	spop (v2sf)  }
0x2c: {  	[tilespmem:s22], [sflag:$0x1] =	stream.linear.gather [hbm4b:s23+s2], $0x80, $0x38;
	[tilespmem:$0x10200] =	vst v63  }
0x2d: {  	s22 =	sadd.s32 s3, s24;
	s23 =	sand.u32 $0x1FFFFFF0, s28;
	s24 =	spop (v2sf)  }
0x2e: {  	[tilespmem:s26], [sflag:$0x1] =	stream.linear.gather [hbm4b:s22+s2], $0x80, $0x38;
	[tilespmem:$0x10200] =	vst v63  }
0x2f: {  	s22 =	sadd.s32 s3, s25;
	s24 =	sand.u32 $0x1FFFFFF0, s24;
	s25 =	spop (v2sf)  }
0x30: {  	[tilespmem:s20], [sflag:$0x1] =	stream.linear.gather [hbm4b:s22+s2], $0x80, $0x38;
	[tilespmem:$0x10200] =	vst v63  }
0x31: {  	s20 =	sadd.s32 s3, s23;
	s22 =	sand.u32 $0x1FFFFFF0, s25;
	s23 =	spop (v2sf)  }
0x32: {  	[tilespmem:s19], [sflag:$0x1] =	stream.linear.gather [hbm4b:s20+s2], $0x80, $0x38;
	[tilespmem:$0x10200] =	vst v63  }
0x33: {  	s19 =	sadd.s32 s3, s24;
	s20 =	sand.u32 $0x1FFFFFF0, s23;
	s23 =	spop (v2sf)  }
0x34: {  	[tilespmem:s21], [sflag:$0x1] =	stream.linear.gather [hbm4b:s19+s2], $0x80, $0x38;
	[tilespmem:$0x10200] =	vst v63  }
0x35: {  	s19 =	sadd.s32 s3, s22;
	s21 =	sand.u32 $0x1FFFFFF0, s23;
	s22 =	spop (v2sf)  }
0x36: {  	[tilespmem:s18], [sflag:$0x1] =	stream.linear.gather [hbm4b:s19+s2], $0x80, $0x38;
	[tilespmem:$0x10200] =	vst v63  }
0x37: {  	s18 =	sadd.s32 s3, s20;
	s19 =	sand.u32 $0x1FFFFFF0, s22;
	s20 =	spop (v2sf)  }
0x38: {  	[tilespmem:s17], [sflag:$0x1] =	stream.linear.gather [hbm4b:s18+s2], $0x80, $0x38;
	[tilespmem:$0x10200] =	vst v63  }
0x39: {  	s17 =	sadd.s32 s3, s21;
	s18 =	sand.u32 $0x1FFFFFF0, s20;
	s20 =	spop (v2sf)  }
0x3a: {  	[tilespmem:s15], [sflag:$0x1] =	stream.linear.gather [hbm4b:s17+s2], $0x80, $0x38;
	[tilespmem:$0x10200] =	vst v63  }
0x3b: {  	s15 =	sadd.s32 s3, s19;
	s17 =	sand.u32 $0x1FFFFFF0, s20  }
0x3c: {  	[tilespmem:s16], [sflag:$0x1] =	stream.linear.gather [hbm4b:s15+s2], $0x80, $0x38;
	[tilespmem:$0x10200] =	vst v63  }
0x3d: {  	s15 =	sadd.s32 $0x900, s11;
	s16 =	sadd.s32 s3, s18  }
0x3e: {  	[tilespmem:s15], [sflag:$0x1] =	stream.linear.gather [hbm4b:s16+s2], $0x80, $0x38;
	[tilespmem:$0x10200] =	vst v63  }
0x3f: {  	s11 =	sadd.s32 $0x980, s11;
	s15 =	sadd.s32 s3, s17  }
0x40: {  	[tilespmem:s11], [sflag:$0x1] =	stream.linear.gather [hbm4b:s15+s2], $0x80, $0x38;
	[tilespmem:$0x10200] =	vst v63  }
0x41: {  	v0 =	vld [tilespmem:s13+$0x0];
	_ =	sdelay $0x4  }
0x42: {  	v0 =	vshll.u32 v0, $0x4  }
0x43: {  	(v2sf) =	vpush v0, $0x0  }
0x44: {  	(v2sf) =	vpush v0, $0x1  }
0x45: {  	(v2sf) =	vpush v0, $0x2;
	_ =	sdelay $0x1  }
0x46: {  	(v2sf) =	vpush v0, $0x4  }
.Ltmp0:
0x47: {  	(pc) =	sbr.rel @p0 .LBB2_2-.Ltmp0, $3  }
0x48: {  	(v2sf) =	vpush v0, $0x3  }
0x49: {  	(v2sf) =	vpush v0, $0x5;
	_ =	sdelay $0x1  }
0x4a: {  	s11 =	sshra.s32 s14, $0x2;
	(v2sf) =	vpush v0, $0x6  }
0x4b: {  	_ =	sdelay $0x1  }
0x4c: {  	s15 =	sadd.s32 $0x280, s11;
	s14 =	sadd.s32 $0x780, s11  }
0x4d: {  	s16 =	sadd.s32 $0x580, s11;
	s12 =	sadd.s32 $0x800, s11;
	(v2sf) =	vpush v0, $0x7;
	s17 =	sadd.s32 $0x480, s11  }
0x4e: {  	s18 =	sadd.s32 $0x600, s11;
	s13 =	sadd.s32 $0x880, s11;
	s19 =	sadd.s32 $0x200, s11  }
0x4f: {  	s20 =	sadd.s32 $0x400, s11;
	s21 =	sadd.s32 $0x500, s11;
	(v2sf) =	vpush v0, $0x8;
	s22 =	spop (v2sf)  }
0x50: {  	s23 =	sadd.s32 $0x300, s11;
	s22 =	sand.u32 $0x1FFFFFF0, s22;
	s24 =	spop (v2sf)  }
0x51: {  	(v2sf) =	vpush v0, $0x9;
	s22 =	sadd.s32 s3, s22;
	s24 =	sand.u32 $0x1FFFFFF0, s24;
	s25 =	spop (v2sf)  }
0x52: {  	[tilespmem:s19], [sflag:$0x1] =	stream.linear.gather [hbm4b:s22+s2], $0x80, $0x38;
	[tilespmem:$0x10200] =	vst v63  }
0x53: {  	s26 =	sadd.s32 $0x380, s11;
	(v2sf) =	vpush v0, $0xA;
	s30 =	sadd.s32 s3, s24;
	s31 =	spop (v2sf)  }
0x54: {  	[tilespmem:s15], [sflag:$0x1] =	stream.linear.gather [hbm4b:s30+s2], $0x80, $0x38;
	[tilespmem:$0x10200] =	vst v63  }
0x55: {  	s19 =	sadd.s32 $0x700, s11;
	s28 =	sand.u32 $0x1FFFFFF0, s25;
	(v2sf) =	vpush v0, $0xB;
	s29 =	spop (v2sf)  }
0x56: {  	s22 =	sadd.s32 s3, s28;
	s15 =	sadd.s32 $0x680, s11;
	s25 =	sand.u32 $0x1FFFFFF0, s29  }
0x57: {  	(v2sf) =	vpush v0, $0xC;
	[tilespmem:s23], [sflag:$0x1] =	stream.linear.gather [hbm4b:s22+s2], $0x80, $0x38;
	[tilespmem:$0x10200] =	vst v63  }
0x58: {  	s30 =	sand.u32 $0x1FFFFFF0, s31;
	s31 =	spop (v2sf);
	s28 =	sadd.s32 s3, s25  }
0x59: {  	(v2sf) =	vpush v0, $0xD;
	[tilespmem:s26], [sflag:$0x1] =	stream.linear.gather [hbm4b:s28+s2], $0x80, $0x38;
	[tilespmem:$0x10200] =	vst v63  }
0x5a: {  	s22 =	sadd.s32 s3, s30;
	s23 =	sand.u32 $0x1FFFFFF0, s31;
	s29 =	spop (v2sf)  }
0x5b: {  	(v2sf) =	vpush v0, $0xE;
	[tilespmem:s20], [sflag:$0x1] =	stream.linear.gather [hbm4b:s22+s2], $0x80, $0x38;
	[tilespmem:$0x10200] =	vst v63  }
0x5c: {  	s23 =	sadd.s32 s3, s23;
	s30 =	sand.u32 $0x1FFFFFF0, s29;
	s31 =	spop (v2sf)  }
0x5d: {  	(v2sf) =	vpush v0, $0xF;
	[tilespmem:s17], [sflag:$0x1] =	stream.linear.gather [hbm4b:s23+s2], $0x80, $0x38;
	[tilespmem:$0x10200] =	vst v63  }
0x5e: {  	s24 =	sand.u32 $0x1FFFFFF0, s31;
	s25 =	spop (v2sf);
	s20 =	sadd.s32 s3, s30  }
0x5f: {  	[tilespmem:s21], [sflag:$0x1] =	stream.linear.gather [hbm4b:s20+s2], $0x80, $0x38;
	[tilespmem:$0x10200] =	vst v63  }
0x60: {  	s26 =	sand.u32 $0x1FFFFFF0, s25;
	s17 =	sadd.s32 s3, s24;
	s28 =	spop (v2sf)  }
0x61: {  	[tilespmem:s16], [sflag:$0x1] =	stream.linear.gather [hbm4b:s17+s2], $0x80, $0x38;
	[tilespmem:$0x10200] =	vst v63  }
0x62: {  	s20 =	sadd.s32 s3, s26;
	s29 =	sand.u32 $0x1FFFFFF0, s28;
	s30 =	spop (v2sf)  }
0x63: {  	[tilespmem:s18], [sflag:$0x1] =	stream.linear.gather [hbm4b:s20+s2], $0x80, $0x38;
	[tilespmem:$0x10200] =	vst v63  }
0x64: {  	s17 =	sand.u32 $0x1FFFFFF0, s30;
	s16 =	sadd.s32 s3, s29;
	s31 =	spop (v2sf)  }
0x65: {  	[tilespmem:s15], [sflag:$0x1] =	stream.linear.gather [hbm4b:s16+s2], $0x80, $0x38;
	[tilespmem:$0x10200] =	vst v63  }
0x66: {  	s17 =	sadd.s32 s3, s17;
	s20 =	sand.u32 $0x1FFFFFF0, s31;
	s21 =	spop (v2sf)  }
0x67: {  	[tilespmem:s19], [sflag:$0x1] =	stream.linear.gather [hbm4b:s17+s2], $0x80, $0x38;
	[tilespmem:$0x10200] =	vst v63  }
0x68: {  	s15 =	sadd.s32 s3, s20;
	s16 =	sand.u32 $0x1FFFFFF0, s21;
	s22 =	spop (v2sf)  }
0x69: {  	[tilespmem:s14], [sflag:$0x1] =	stream.linear.gather [hbm4b:s15+s2], $0x80, $0x38;
	[tilespmem:$0x10200] =	vst v63  }
0x6a: {  	s23 =	sand.u32 $0x1FFFFFF0, s22;
	s16 =	sadd.s32 s3, s16;
	s24 =	spop (v2sf)  }
0x6b: {  	[tilespmem:s12], [sflag:$0x1] =	stream.linear.gather [hbm4b:s16+s2], $0x80, $0x38;
	[tilespmem:$0x10200] =	vst v63  }
0x6c: {  	s25 =	sand.u32 $0x1FFFFFF0, s24;
	s26 =	spop (v2sf);
	s14 =	sadd.s32 s3, s23  }
0x6d: {  	[tilespmem:s13], [sflag:$0x1] =	stream.linear.gather [hbm4b:s14+s2], $0x80, $0x38;
	[tilespmem:$0x10200] =	vst v63  }
0x6e: {  	s29 =	sadd.s32 $0x900, s11;
	s28 =	sand.u32 $0x1FFFFFF0, s26;
	s12 =	sadd.s32 s3, s25  }
0x6f: {  	[tilespmem:s29], [sflag:$0x1] =	stream.linear.gather [hbm4b:s12+s2], $0x80, $0x38;
	[tilespmem:$0x10200] =	vst v63  }
0x70: {  	s30 =	sadd.s32 $0x980, s11;
	s31 =	sadd.s32 s3, s28  }
0x71: {  	[tilespmem:s30], [sflag:$0x1] =	stream.linear.gather [hbm4b:s31+s2], $0x80, $0x38;
	[tilespmem:$0x10200] =	vst v63  }
0x72: {  	s10 =	sadd.s32 $0x1, s10;
	_ =	swait.ge [sflag:s8], $0x10000  }
0x73: {  	p0 =	sne.s32 s10, s6;
	[sflag:s8] =	ssyncset.done $0x0  }
.Ltmp1:
0x74: {  	[sflag:s8] =	ssyncadd.s32 $0xFFFF0000;
	(pc) =	sbr.rel @p0 .LBB2_1-.Ltmp1, $4  }
0x75: {  	[hbm4b:s5+s2] =	stream.linear.scatter [tilespmem:s9], [sflag:$0x2], $0x10000, $0x38;
	[tilespmem:$0x10200] =	vst v63  }
0x76: {  	_ =	swait.ge [sflag:s7], $0x10000  }
0x77: {  	[sflag:s7] =	ssyncset.done $0x0  }
0x78: {  	[sflag:s7] =	ssyncadd.s32 $0xFFFF0000  }
0x79: {  	_ =	sfence.sel $0x180000  }
0x7a: {  	[bflag:$0x0] =	sbarrier.arrive $0xFFFF  }
0x7b: {  	p0 =	sne.s32 s1, $0x0;
	_ =	strace $0x90000047  }
0x7c: {  	s0 =	sadd.s32 @!p0 $0x100000, s0;
	[bflag:$0x2] =	sbarrier.arrive $0xFFFF  }
0x7d: {  	[sflag:s0] =	ssyncadd.tile.s32 @!p0 $0x1;
	_ =	shalt  }
.Lfunc_end2:
_tile_overlayer_lowered:
.L_overlay_start_2:
0x7e: {  	(tag) =	ssettag $0x2  }
0x7f: {  	s0 =	rddreg [dreg:$0x0];
	s2 =	stileid.u32  }
0x80: {  	s1 =	rddreg [dreg:$0x1];
	p0 =	sne.s32 s2, $0x0  }
0x81: {  	s3 =	rddreg [dreg:$0x2];
	[bflag:$0x3] =	sbarrier.arrive $0xFFFF;
	s2 =	simm.s32 @!p0 $0x1C02  }
0x82: {  	[timem:s3], [sflag:s2] =	dma.local @!p0 [hbm:s0], s1  }
0x83: {  	s0 =	simm.s32 @!p0 $0x2  }
0x84: {  	_ =	swait.ge @!p0 [sflag:s0], s1  }
0x85: {  	s1 =	ssub.s32 @!p0 $0x0, s1;
	[sflag:s0] =	ssyncset.done @!p0 $0x0  }
0x86: {  	[sflag:s0] =	ssyncadd.s32 @!p0 s1  }
0x87: {  	[bflag:$0x3] =	sbarrier.arrive $0xFFFF  }
0x88: {  	_ =	shalt  }

// kernel: kernel.7.cloned.1.call-start
scs
__scs_entry_jumppad:
0x0: {  	(pc) =	sbr.rel $0x88, $3  }
0x1: {  	(tag) =	ssettag $0x0;
	lr =	simm.s32 $0x1  }
0x2: {  	[smem:$0x3F9D] =	sst lr;
	_ =	strace $0xD0000000  }
0x3: {  	_ = 	snop  }
0x4: {  	_ = 	snop  }
0x5: {  	_ = 	snop  }
0x6: {  	_ = 	snop  }
0x7: {  	_ = 	snop  }
__scs_overlays_trampoline_lowered:
0x8: {  	[smem:$0x3FAC] =	sst s0  }
0x9: {  	[smem:$0x3FAD] =	sst s1  }
0xa: {  	[smem:$0x3FAE] =	sst s2  }
0xb: {  	[smem:$0x3FAF] =	sst s3  }
0xc: {  	[smem:$0x3FB0] =	sst s4  }
0xd: {  	[smem:$0x3FB1] =	sst s5  }
0xe: {  	[smem:$0x3FB2] =	sst s6  }
0xf: {  	[smem:$0x3FB3] =	sst s7  }
0x10: {  	[smem:$0x3FB4] =	sst s8  }
0x11: {  	[smem:$0x3FB5] =	sst s9;
	s0 =	simm.s32 @!p0 $0x0  }
0x12: {  	s1 =	sld [smem:$0x3F9B];
	s0 =	simm.s32 @p0 $0x1  }
0x13: {  	[smem:$0x3FB6] =	sst s0;
	s0 =	simm.s32 @!p1 $0x0  }
0x14: {  	s2 =	sld [smem:$0x3F9A];
	s0 =	simm.s32 @p1 $0x1  }
0x15: {  	[smem:$0x3FB7] =	sst s0;
	s0 =	simm.s32 @!p2 $0x0  }
0x16: {  	s3 =	sld [smem:$0x3FDB];
	s0 =	simm.s32 @p2 $0x1  }
0x17: {  	s4 =	simm.s32 $0x1BF5;
	[smem:$0x3FB9] =	sst s0  }
0x18: {  	s0 =	sld [smem:$0x3F9C];
	_ =	swait.ge [sflag:s4], $0x0  }
0x19: {  	s7 =	sld [smem:$0x3F9D]  }
0x1a: {  	s8 =	sadd.s32 $0xFFFFE003, lr  }
0x1b: {  	s9 =	sadd.s32 $0xFFFFFEF7, lr;
	s5 =	simm.s32 $0xFFFFFFFF;
	p2 =	slt.u32 s8, $0xFFFFF086  }
0x1c: {  	p1 =	slt.u32 s9, $0xF7A;
	s5 =	simm.s32 @!p2 $0x0  }
0x1d: {  	s5 =	simm.s32 @p1 $0x1;
	p0 =	seq.s32 s7, s2  }
0x1e: {  	s7 =	smul.u32 @!p0 $0xF7A, s2;
	p2 =	seq.s32 @!p0 s5, $0x0  }
0x1f: {  	s9 =	smul.u32 $0xF7A, s1;
	s8 =	simm.s32 @!p0 $0x1BF5;
	p2 =	por !p2, p0  }
0x20: {  	[sflag:s8] =	ssyncset.s32 @!p0 $0xFFFFF086;
	s6 =	sadd.s32 @!p0 s3, s7;
	s7 =	simm.s32 @!p0 $0x108  }
0x21: {  	s3 =	sadd.s32 s3, s9;
	s6 =	sadd.s32 @!p0 $0x88, s6;
	s7 =	simm.s32 @p2 $0x1082  }
0x22: {  	[simem:s7], [sflag:s8] =	dma.local @!p0 [hbm:s6], $0xF7A  }
0x23: {  	s9 =	sor.u32 $0xD0000000, s2;
	s6 =	simm.s32 $0x108;
	_ =	swait.ge @!p0 [sflag:s8], $0x0  }
0x24: {  	s3 =	sadd.s32 $0x88, s3;
	s6 =	simm.s32 @!p1 $0x1082;
	[sflag:s4] =	ssyncset.s32 $0xFFFFF086  }
0x25: {  	[simem:s6], [sflag:s4] =	dma.local [hbm:s3], $0xF7A  }
0x26: {  	[smem:$0x3F9D] =	sst s1;
	(tag) =	ssettag s2;
	_ =	strace s9  }
0x27: {  	s1 =	sld [smem:$0x3FAD]  }
0x28: {  	s2 =	sld [smem:$0x3FAE]  }
0x29: {  	s4 =	sld [smem:$0x3FB0]  }
0x2a: {  	p0 =	seq.s32 s5, $0x0;
	s5 =	sld [smem:$0x3FB1]  }
0x2b: {  	s6 =	sld [smem:$0x3FB2]  }
0x2c: {  	s7 =	sld [smem:$0x3FB3]  }
0x2d: {  	s3 =	simm.s32 $0x108;
	s8 =	sld [smem:$0x3FB4]  }
0x2e: {  	s3 =	simm.s32 @!p0 $0x1082;
	s9 =	sld [smem:$0x3FB5]  }
0x2f: {  	lr =	sadd.s32 s0, s3;
	s0 =	sld [smem:$0x3FAC]  }
0x30: {  	s3 =	sld [smem:$0x3FAF]  }
0x31: {  	[smem:$0x3FB8] =	sst s10  }
0x32: {  	s10 =	sld [smem:$0x3FB6];
	_ =	sdelay $0x3  }
0x33: {  	p0 =	seq.s32 s10, $0x1;
	s10 =	sld [smem:$0x3FB8];
	_ =	sdelay $0x3  }
0x34: {  	[smem:$0x3FB8] =	sst s10  }
0x35: {  	s10 =	sld [smem:$0x3FB7];
	_ =	sdelay $0x3  }
0x36: {  	p1 =	seq.s32 s10, $0x1;
	s10 =	sld [smem:$0x3FB8];
	_ =	sdelay $0x3  }
0x37: {  	[smem:$0x3FB8] =	sst s10  }
0x38: {  	s10 =	sld [smem:$0x3FB9]  }
0x39: {  	_ = 	snop;
	(pc) =	sbr.ind lr, $3  }
0x3a: {  	_ = 	snop  }
0x3b: {  	_ = 	snop  }
0x3c: {  	p2 =	seq.s32 s10, $0x1;
	s10 =	sld [smem:$0x3FB8]  }
0x3d: {  	_ =	shalt  }
0x3e: {  	_ =	shalt  }
0x3f: {  	_ =	shalt  }
0x40: {  	_ =	shalt  }
0x41: {  	_ =	shalt  }
0x42: {  	_ =	shalt  }
0x43: {  	_ =	shalt  }
0x44: {  	_ =	shalt  }
0x45: {  	_ =	shalt  }
0x46: {  	_ =	shalt  }
0x47: {  	_ =	shalt  }
0x48: {  	_ =	shalt  }
0x49: {  	_ =	shalt  }
0x4a: {  	_ =	shalt  }
0x4b: {  	_ =	shalt  }
0x4c: {  	_ =	shalt  }
0x4d: {  	_ =	shalt  }
0x4e: {  	_ =	shalt  }
0x4f: {  	_ =	shalt  }
0x50: {  	_ =	shalt  }
0x51: {  	_ =	shalt  }
0x52: {  	_ =	shalt  }
0x53: {  	_ =	shalt  }
0x54: {  	_ =	shalt  }
0x55: {  	_ =	shalt  }
0x56: {  	_ =	shalt  }
0x57: {  	_ =	shalt  }
0x58: {  	_ =	shalt  }
0x59: {  	_ =	shalt  }
0x5a: {  	_ =	shalt  }
0x5b: {  	_ =	shalt  }
0x5c: {  	_ =	shalt  }
0x5d: {  	_ =	shalt  }
0x5e: {  	_ =	shalt  }
0x5f: {  	_ =	shalt  }
0x60: {  	_ =	shalt  }
0x61: {  	_ =	shalt  }
0x62: {  	_ =	shalt  }
0x63: {  	_ =	shalt  }
0x64: {  	_ =	shalt  }
0x65: {  	_ =	shalt  }
0x66: {  	_ =	shalt  }
0x67: {  	_ =	shalt  }
0x68: {  	_ =	shalt  }
0x69: {  	_ =	shalt  }
0x6a: {  	_ =	shalt  }
0x6b: {  	_ =	shalt  }
0x6c: {  	_ =	shalt  }
0x6d: {  	_ =	shalt  }
0x6e: {  	_ =	shalt  }
0x6f: {  	_ =	shalt  }
0x70: {  	_ =	shalt  }
0x71: {  	_ =	shalt  }
0x72: {  	_ =	shalt  }
0x73: {  	_ =	shalt  }
0x74: {  	_ =	shalt  }
0x75: {  	_ =	shalt  }
0x76: {  	_ =	shalt  }
0x77: {  	_ =	shalt  }
0x78: {  	_ =	shalt  }
0x79: {  	_ =	shalt  }
0x7a: {  	_ =	shalt  }
0x7b: {  	_ =	shalt  }
0x7c: {  	_ =	shalt  }
0x7d: {  	_ =	shalt  }
0x7e: {  	_ =	shalt  }
0x7f: {  	_ =	shalt  }
0x80: {  	_ =	shalt  }
0x81: {  	_ =	shalt  }
0x82: {  	_ =	shalt  }
0x83: {  	_ =	shalt  }
0x84: {  	_ =	shalt  }
0x85: {  	_ =	shalt  }
0x86: {  	_ =	shalt  }
0x87: {  	_ =	shalt  }
.Lfunc_end0:
.L_simem_size_0:
called_computation.1_lowered:
.L_overlay_start_0:
0x88: {  	s2 =	sld [smem:$0x3FD9]  }
0x89: {  	s3 =	sld [smem:$0x3FFE];
	_ =	sdelay $0x1  }
0x8a: {  	s1 =	srdreg.scid  }
0x8b: {  	s0 =	sand.u32 $0x1, s1  }
0x8c: {  	s17 =	sshll.u32 s0, $0xA;
	s2 =	sadd.s32 s3, s2  }
0x8d: {  	s2 =	sadd.s32 s2, s17  }
0x8e: {  	[smem:$0x3FC4] =	sst s2  }
0x8f: {  	_ = 	snop  }
0x90: {  	s18 =	sld [smem:$0x3FC8];
	(tm) =	ssettm $0x1  }
0x91: {  	s19 =	sld [smem:$0x3FFB];
	_ =	sdelay $0x3  }
0x92: {  	_ =	strace s19  }
0x93: {  	s2 =	sld [smem:$0x3FFC];
	_ =	sdelay $0x3  }
0x94: {  	_ =	strace s2  }
0x95: {  	s2 =	sld [smem:$0x3FFD];
	_ =	sdelay $0x3  }
0x96: {  	_ =	strace s2  }
0x97: {  	_ =	strace $0x8FFFFFFF  }
0x98: {  	s20 =	sld [smem:$0x3FDB];
	_ =	sdelay $0x1  }
0x99: {  	s4 =	simm.s32 $_scs_section_size  }
0x9a: {  	s5 =	simm.s32 $_size__tile_overlayer_lowered;
	s6 =	simm.s32 $_tile_overlayer_lowered  }
0x9b: {  	s7 =	simm.s32 $0x1BFF;
	s21 =	sshll.u32 s6, $0x1;
	s4 =	sadd.s32 s4, s20  }
0x9c: {  	s22 =	simm.s32 $0x0;
	s5 =	sshll.u32 s5, $0x1;
	s6 =	sadd.s32 s21, s4  }
0x9d: {  	[timem:s22], [sflag:s7] =	dma.local [hbm:s6], s5  }
0x9e: {  	_ =	swait.ge [sflag:s7], s5  }
0x9f: {  	s5 =	ssub.s32 $0x0, s5;
	[sflag:s7] =	ssyncset.done $0x0  }
0xa0: {  	[sflag:s7] =	ssyncadd.s32 s5;
	_ =	sdelay $0x1  }
0xa1: {  	s23 =	simm.s32 $0x1B8B  }
0xa2: {  	_ =	swait.ge [sflag:s23], $0x1  }
0xa3: {  	[sflag:s23] =	ssyncset.done $0x0  }
0xa4: {  	[sflag:s23] =	ssyncadd.s32 $0xFFFFFFFF  }
0xa5: {  	s5 =	sld [smem:$0x0]  }
0xa6: {  	s6 =	sand.u32 $0xFFFFFFFE, s1  }
0xa7: {  	p0 =	sne.s32 s1, s6  }
0xa8: {  	s6 =	sshll.u32 @p0 s6, $0xE  }
0xa9: {  	s6 =	sadd.s32 @p0 $0x11B8D, s6;
	s7 =	sshll.u32 @p0 s5, $0x11  }
0xaa: {  	s6 =	sor.u32 @p0 s7, s6  }
0xab: {  	[sflag:s6] =	ssyncadd.remote.s32 @p0 $0x1;
	_ =	sdelay $0x1  }
0xac: {  	s6 =	simm.s32 @p0 $0x1B8D  }
0xad: {  	_ =	swait.eq @p0 [sflag:s6], $0x1  }
0xae: {  	[sflag:s6] =	ssyncadd.s32 @p0 $0xFFFFFFFF  }
0xaf: {  	s7 =	sshll.u32 @!p0 s1, $0xE  }
0xb0: {  	s7 =	sor.u32 @!p0 $0x4000, s7;
	s6 =	simm.s32 @!p0 $0x1B8D  }
0xb1: {  	s5 =	sshll.u32 @!p0 s5, $0x11;
	s7 =	sadd.s32 @!p0 $0x11B8D, s7;
	_ =	swait.eq @!p0 [sflag:s6], $0x1  }
0xb2: {  	s5 =	sor.u32 @!p0 s5, s7;
	[sflag:s6] =	ssyncadd.s32 @!p0 $0xFFFFFFFF  }
0xb3: {  	s25 =	simm.s32 $0x1B8E;
	s24 =	sld [smem:$0x3FFE];
	[sflag:s5] =	ssyncadd.remote.s32 @!p0 $0x1  }
0xb4: {  	s26 =	simm.s32 $execute0_lowered;
	[smem:$0x3FD2] =	sst s25  }
0xb5: {  	s6 =	sshll.u32 s26, $0x1;
	_ =	strace $0x80000049;
	[dreg:$0x1] =	wrdreg $0xFFFFFFFF  }
0xb6: {  	s28 =	simm.s32 $_size_execute0_lowered;
	s4 =	sadd.s32 s4, s6;
	[dreg:$0x0] =	wrdreg $0x0  }
0xb7: {  	s6 =	sshll.u32 s28, $0x1;
	[dreg:$0x2] =	wrdreg s4  }
0xb8: {  	[dreg:$0x3] =	wrdreg s6  }
0xb9: {  	[dreg:$0x4] =	wrdreg $0xC0  }
0xba: {  	_ =	task [dreg:s22], $0x5FFFF  }
0xbb: {  	[dreg:$0x1] =	wrdreg $0xFFFFFFFF  }
0xbc: {  	[dreg:$0x0] =	wrdreg $0x60  }
0xbd: {  	[dreg:$0x2] =	wrdreg s18  }
0xbe: {  	[dreg:$0x3] =	wrdreg s24  }
0xbf: {  	[dreg:$0x4] =	wrdreg $0xA  }
0xc0: {  	_ =	task.clear_ibuf [dreg:s22], $0x5FFFF;
	_ =	strace $0x90000049  }
0xc1: {  	s29 =	simm.s32 $0xA;
	_ =	strace $0x8000004B  }
0xc2: {  	_ =	swait.ge [sflag:s29], $0x1  }
0xc3: {  	[sflag:s29] =	ssyncadd.s32 $0xFFFFFFFF  }
0xc4: {  	_ =	strace $0x9000004B  }
0xc5: {  	_ =	sfence  }
0xc6: {  	s30 =	sld [smem:$0x0];
	_ =	sdelay $0x2  }
0xc7: {  	s31 =	sshll.u32 s1, $0xD;
	s1 =	sshrl.u32 s1, $0x2  }
0xc8: {  	s4 =	sand.u32 $0x4000, s31;
	s1 =	sadd.s32 s1, s30  }
0xc9: {  	s0 =	sor.u32 s4, s0;
	s1 =	sshll.u32 s1, $0x11  }
0xca: {  	s0 =	sor.u32 s1, s0  }
0xcb: {  	s0 =	sadd.s32 $0x8F2B, s0  }
0xcc: {  	[sflag:s0] =	ssyncadd.remote.s32 $0x1  }
0xcd: {  	_ =	sfence.sel $0xFFFF  }
0xce: {  	[dreg:$0x0] =	wrdreg $0xFFFFFFFF;
	(pc) =	sbr.abs _section_cstart, $3  }
0xcf: {  	[dreg:$0x1] =	wrdreg $0xFFFFFFFF  }
0xd0: {  	_ =	task.clear_ibuf [dreg:s22], $0x2FFFF;
	_ =	strace $0x9FFFFFFF  }
0xd1: {  	(tm) =	ssettm $0x7FFFFFFF  }
tec
execute0_lowered:
.L_overlay_start_1:
0x0: {  	(tag) =	ssettag $0x1  }
0x1: {  	s4 =	rddreg [dreg:$0x0]  }
0x2: {  	s5 =	rddreg [dreg:$0x1]  }
0x3: {  	s0 =	rddreg [dreg:$0x2];
	s2 =	simm.s32 $0x0;
	s3 =	srdreg.scid  }
0x4: {  	s1 =	stileid.u32;
	s10 =	simm.s32 $0x0;
	s6 =	sand.u32 $0x1, s3  }
0x5: {  	[smem:$0x7FF] =	sst s2;
	s7 =	sshll.u32 s1, $0xA;
	s8 =	sshll.u32 s6, $0x9  }
0x6: {  	s3 =	sadd.s32 $0x1C9000, s5;
	s6 =	ssub.s32 $0x2, s6;
	s7 =	sor.u32 s8, s7  }
0x7: {  	_ =	strace $0x8000004A;
	s9 =	sshrl.u32 s6, $0x1;
	s8 =	sshll.u32 s7, $0x4  }
0x8: {  	s7 =	sshrl.u32 s7, $0x3;
	s6 =	ssub.s32 s6, s9;
	s9 =	simm.s32 $0x200  }
0x9: {  	s5 =	sadd.s32 s8, s5;
	s4 =	sadd.s32 s4, s7;
	s6 =	smax.u32 s6, $0x1  }
0xa: {  	s7 =	simm.s32 $0x2;
	s8 =	simm.s32 $0x1;
	s5 =	sadd.s32 $0x34FC00, s5  }
.LBB2_1:
0xb: {  	[tilespmem:s2], [sflag:$0x2] =	stream.linear.gather [hbm4b:s4+s2], $0x200, $0x38;
	[tilespmem:$0x10200] =	vst v63  }
0xc: {  	_ =	swait.ge [sflag:s7], $0x200  }
0xd: {  	[sflag:s7] =	ssyncset.done $0x0  }
0xe: {  	[sflag:s7] =	ssyncadd.s32 $0xFFFFFE00  }
0xf: {  	v0 =	vld [tilespmem:s2+$0x0];
	_ =	sdelay $0x4  }
0x10: {  	v0 =	vshll.u32 v0, $0x4  }
0x11: {  	(v2sf) =	vpush v0, $0x0  }
0x12: {  	(v2sf) =	vpush v0, $0x1  }
0x13: {  	(v2sf) =	vpush v0, $0x2;
	_ =	sdelay $0x1  }
0x14: {  	(v2sf) =	vpush v0, $0x4;
	_ =	sdelay $0x1  }
0x15: {  	(v2sf) =	vpush v0, $0x3  }
0x16: {  	(v2sf) =	vpush v0, $0x5  }
0x17: {  	s12 =	simm.s32 $0x2000;
	s11 =	simm.s32 $0x0;
	s13 =	simm.s32 $0x0;
	(v2sf) =	vpush v0, $0x6  }
.LBB2_2:
0x18: {  	p0 =	sne.s32 s12, $0x3E000  }
0x19: {  	s23 =	sadd.s32 $0x280, s11;
	s17 =	sadd.s32 $0x780, s11;
	s14 =	smov.u32 s12  }
0x1a: {  	s12 =	sadd.s32 $0x2000, s12;
	s20 =	sadd.s32 $0x580, s11;
	s15 =	sadd.s32 $0x800, s11;
	(v2sf) =	vpush v0, $0x7  }
0x1b: {  	s22 =	sadd.s32 $0x480, s11;
	s19 =	sadd.s32 $0x600, s11;
	s16 =	sadd.s32 $0x880, s11  }
0x1c: {  	s24 =	sadd.s32 $0x200, s11;
	s25 =	sadd.s32 $0x400, s11;
	(v2sf) =	vpush v0, $0x8  }
0x1d: {  	s26 =	sadd.s32 $0x500, s11;
	s13 =	sadd.s32 $0x10, s13  }
0x1e: {  	s28 =	sadd.s32 $0x300, s11;
	s18 =	sadd.s32 $0x700, s11;
	s21 =	spop (v2sf);
	(v2sf) =	vpush v0, $0x9  }
0x1f: {  	s29 =	sand.u32 $0x1FFFFFF0, s21;
	s21 =	sadd.s32 $0x680, s11;
	s30 =	spop (v2sf)  }
0x20: {  	s29 =	sadd.s32 s3, s29;
	s30 =	sand.u32 $0x1FFFFFF0, s30;
	s31 =	spop (v2sf);
	(v2sf) =	vpush v0, $0xA  }
0x21: {  	[tilespmem:s24], [sflag:$0x1] =	stream.linear.gather [hbm4b:s29+s2], $0x80, $0x38;
	[tilespmem:$0x10200] =	vst v63  }
0x22: {  	s24 =	sadd.s32 s3, s30;
	s29 =	sadd.s32 $0x380, s11;
	s30 =	spop (v2sf);
	(v2sf) =	vpush v0, $0xB  }
0x23: {  	[tilespmem:s23], [sflag:$0x1] =	stream.linear.gather [hbm4b:s24+s2], $0x80, $0x38;
	[tilespmem:$0x10200] =	vst v63  }
0x24: {  	s23 =	sand.u32 $0x1FFFFFF0, s31;
	s24 =	sand.u32 $0x1FFFFFF0, s30;
	s30 =	spop (v2sf);
	(v2sf) =	vpush v0, $0xC  }
0x25: {  	s23 =	sadd.s32 s3, s23;
	s30 =	sand.u32 $0x1FFFFFF0, s30;
	s31 =	spop (v2sf)  }
0x26: {  	[tilespmem:s28], [sflag:$0x1] =	stream.linear.gather [hbm4b:s23+s2], $0x80, $0x38;
	(v2sf) =	vpush v0, $0xD;
	[tilespmem:$0x10200] =	vst v63  }
0x27: {  	s23 =	sadd.s32 s3, s30;
	s28 =	sand.u32 $0x1FFFFFF0, s31;
	s30 =	spop (v2sf)  }
0x28: {  	[tilespmem:s29], [sflag:$0x1] =	stream.linear.gather [hbm4b:s23+s2], $0x80, $0x38;
	(v2sf) =	vpush v0, $0xE;
	[tilespmem:$0x10200] =	vst v63  }
0x29: {  	s23 =	sadd.s32 s3, s24;
	s24 =	sand.u32 $0x1FFFFFF0, s30;
	s29 =	spop (v2sf)  }
0x2a: {  	[tilespmem:s25], [sflag:$0x1] =	stream.linear.gather [hbm4b:s23+s2], $0x80, $0x38;
	(v2sf) =	vpush v0, $0xF;
	[tilespmem:$0x10200] =	vst v63  }
0x2b: {  	s23 =	sadd.s32 s3, s28;
	s25 =	sand.u32 $0x1FFFFFF0, s29;
	s28 =	spop (v2sf)  }
0x2c: {  	[tilespmem:s22], [sflag:$0x1] =	stream.linear.gather [hbm4b:s23+s2], $0x80, $0x38;
	[tilespmem:$0x10200] =	vst v63  }
0x2d: {  	s22 =	sadd.s32 s3, s24;
	s23 =	sand.u32 $0x1FFFFFF0, s28;
	s24 =	spop (v2sf)  }
0x2e: {  	[tilespmem:s26], [sflag:$0x1] =	stream.linear.gather [hbm4b:s22+s2], $0x80, $0x38;
	[tilespmem:$0x10200] =	vst v63  }
0x2f: {  	s22 =	sadd.s32 s3, s25;
	s24 =	sand.u32 $0x1FFFFFF0, s24;
	s25 =	spop (v2sf)  }
0x30: {  	[tilespmem:s20], [sflag:$0x1] =	stream.linear.gather [hbm4b:s22+s2], $0x80, $0x38;
	[tilespmem:$0x10200] =	vst v63  }
0x31: {  	s20 =	sadd.s32 s3, s23;
	s22 =	sand.u32 $0x1FFFFFF0, s25;
	s23 =	spop (v2sf)  }
0x32: {  	[tilespmem:s19], [sflag:$0x1] =	stream.linear.gather [hbm4b:s20+s2], $0x80, $0x38;
	[tilespmem:$0x10200] =	vst v63  }
0x33: {  	s19 =	sadd.s32 s3, s24;
	s20 =	sand.u32 $0x1FFFFFF0, s23;
	s23 =	spop (v2sf)  }
0x34: {  	[tilespmem:s21], [sflag:$0x1] =	stream.linear.gather [hbm4b:s19+s2], $0x80, $0x38;
	[tilespmem:$0x10200] =	vst v63  }
0x35: {  	s19 =	sadd.s32 s3, s22;
	s21 =	sand.u32 $0x1FFFFFF0, s23;
	s22 =	spop (v2sf)  }
0x36: {  	[tilespmem:s18], [sflag:$0x1] =	stream.linear.gather [hbm4b:s19+s2], $0x80, $0x38;
	[tilespmem:$0x10200] =	vst v63  }
0x37: {  	s18 =	sadd.s32 s3, s20;
	s19 =	sand.u32 $0x1FFFFFF0, s22;
	s20 =	spop (v2sf)  }
0x38: {  	[tilespmem:s17], [sflag:$0x1] =	stream.linear.gather [hbm4b:s18+s2], $0x80, $0x38;
	[tilespmem:$0x10200] =	vst v63  }
0x39: {  	s17 =	sadd.s32 s3, s21;
	s18 =	sand.u32 $0x1FFFFFF0, s20;
	s20 =	spop (v2sf)  }
0x3a: {  	[tilespmem:s15], [sflag:$0x1] =	stream.linear.gather [hbm4b:s17+s2], $0x80, $0x38;
	[tilespmem:$0x10200] =	vst v63  }
0x3b: {  	s15 =	sadd.s32 s3, s19;
	s17 =	sand.u32 $0x1FFFFFF0, s20  }
0x3c: {  	[tilespmem:s16], [sflag:$0x1] =	stream.linear.gather [hbm4b:s15+s2], $0x80, $0x38;
	[tilespmem:$0x10200] =	vst v63  }
0x3d: {  	s15 =	sadd.s32 $0x900, s11;
	s16 =	sadd.s32 s3, s18  }
0x3e: {  	[tilespmem:s15], [sflag:$0x1] =	stream.linear.gather [hbm4b:s16+s2], $0x80, $0x38;
	[tilespmem:$0x10200] =	vst v63  }
0x3f: {  	s11 =	sadd.s32 $0x980, s11;
	s15 =	sadd.s32 s3, s17  }
0x40: {  	[tilespmem:s11], [sflag:$0x1] =	stream.linear.gather [hbm4b:s15+s2], $0x80, $0x38;
	[tilespmem:$0x10200] =	vst v63  }
0x41: {  	v0 =	vld [tilespmem:s13+$0x0];
	_ =	sdelay $0x4  }
0x42: {  	v0 =	vshll.u32 v0, $0x4  }
0x43: {  	(v2sf) =	vpush v0, $0x0  }
0x44: {  	(v2sf) =	vpush v0, $0x1  }
0x45: {  	(v2sf) =	vpush v0, $0x2;
	_ =	sdelay $0x1  }
0x46: {  	(v2sf) =	vpush v0, $0x4  }
.Ltmp0:
0x47: {  	(pc) =	sbr.rel @p0 .LBB2_2-.Ltmp0, $3  }
0x48: {  	(v2sf) =	vpush v0, $0x3  }
0x49: {  	(v2sf) =	vpush v0, $0x5;
	_ =	sdelay $0x1  }
0x4a: {  	s11 =	sshra.s32 s14, $0x2;
	(v2sf) =	vpush v0, $0x6  }
0x4b: {  	_ =	sdelay $0x1  }
0x4c: {  	s15 =	sadd.s32 $0x280, s11;
	s14 =	sadd.s32 $0x780, s11  }
0x4d: {  	s16 =	sadd.s32 $0x580, s11;
	s12 =	sadd.s32 $0x800, s11;
	(v2sf) =	vpush v0, $0x7;
	s17 =	sadd.s32 $0x480, s11  }
0x4e: {  	s18 =	sadd.s32 $0x600, s11;
	s13 =	sadd.s32 $0x880, s11;
	s19 =	sadd.s32 $0x200, s11  }
0x4f: {  	s20 =	sadd.s32 $0x400, s11;
	s21 =	sadd.s32 $0x500, s11;
	(v2sf) =	vpush v0, $0x8;
	s22 =	spop (v2sf)  }
0x50: {  	s23 =	sadd.s32 $0x300, s11;
	s22 =	sand.u32 $0x1FFFFFF0, s22;
	s24 =	spop (v2sf)  }
0x51: {  	(v2sf) =	vpush v0, $0x9;
	s22 =	sadd.s32 s3, s22;
	s24 =	sand.u32 $0x1FFFFFF0, s24;
	s25 =	spop (v2sf)  }
0x52: {  	[tilespmem:s19], [sflag:$0x1] =	stream.linear.gather [hbm4b:s22+s2], $0x80, $0x38;
	[tilespmem:$0x10200] =	vst v63  }
0x53: {  	s26 =	sadd.s32 $0x380, s11;
	(v2sf) =	vpush v0, $0xA;
	s30 =	sadd.s32 s3, s24;
	s31 =	spop (v2sf)  }
0x54: {  	[tilespmem:s15], [sflag:$0x1] =	stream.linear.gather [hbm4b:s30+s2], $0x80, $0x38;
	[tilespmem:$0x10200] =	vst v63  }
0x55: {  	s19 =	sadd.s32 $0x700, s11;
	s28 =	sand.u32 $0x1FFFFFF0, s25;
	(v2sf) =	vpush v0, $0xB;
	s29 =	spop (v2sf)  }
0x56: {  	s22 =	sadd.s32 s3, s28;
	s15 =	sadd.s32 $0x680, s11;
	s25 =	sand.u32 $0x1FFFFFF0, s29  }
0x57: {  	(v2sf) =	vpush v0, $0xC;
	[tilespmem:s23], [sflag:$0x1] =	stream.linear.gather [hbm4b:s22+s2], $0x80, $0x38;
	[tilespmem:$0x10200] =	vst v63  }
0x58: {  	s30 =	sand.u32 $0x1FFFFFF0, s31;
	s31 =	spop (v2sf);
	s28 =	sadd.s32 s3, s25  }
0x59: {  	(v2sf) =	vpush v0, $0xD;
	[tilespmem:s26], [sflag:$0x1] =	stream.linear.gather [hbm4b:s28+s2], $0x80, $0x38;
	[tilespmem:$0x10200] =	vst v63  }
0x5a: {  	s22 =	sadd.s32 s3, s30;
	s23 =	sand.u32 $0x1FFFFFF0, s31;
	s29 =	spop (v2sf)  }
0x5b: {  	(v2sf) =	vpush v0, $0xE;
	[tilespmem:s20], [sflag:$0x1] =	stream.linear.gather [hbm4b:s22+s2], $0x80, $0x38;
	[tilespmem:$0x10200] =	vst v63  }
0x5c: {  	s23 =	sadd.s32 s3, s23;
	s30 =	sand.u32 $0x1FFFFFF0, s29;
	s31 =	spop (v2sf)  }
0x5d: {  	(v2sf) =	vpush v0, $0xF;
	[tilespmem:s17], [sflag:$0x1] =	stream.linear.gather [hbm4b:s23+s2], $0x80, $0x38;
	[tilespmem:$0x10200] =	vst v63  }
0x5e: {  	s24 =	sand.u32 $0x1FFFFFF0, s31;
	s25 =	spop (v2sf);
	s20 =	sadd.s32 s3, s30  }
0x5f: {  	[tilespmem:s21], [sflag:$0x1] =	stream.linear.gather [hbm4b:s20+s2], $0x80, $0x38;
	[tilespmem:$0x10200] =	vst v63  }
0x60: {  	s26 =	sand.u32 $0x1FFFFFF0, s25;
	s17 =	sadd.s32 s3, s24;
	s28 =	spop (v2sf)  }
0x61: {  	[tilespmem:s16], [sflag:$0x1] =	stream.linear.gather [hbm4b:s17+s2], $0x80, $0x38;
	[tilespmem:$0x10200] =	vst v63  }
0x62: {  	s20 =	sadd.s32 s3, s26;
	s29 =	sand.u32 $0x1FFFFFF0, s28;
	s30 =	spop (v2sf)  }
0x63: {  	[tilespmem:s18], [sflag:$0x1] =	stream.linear.gather [hbm4b:s20+s2], $0x80, $0x38;
	[tilespmem:$0x10200] =	vst v63  }
0x64: {  	s17 =	sand.u32 $0x1FFFFFF0, s30;
	s16 =	sadd.s32 s3, s29;
	s31 =	spop (v2sf)  }
0x65: {  	[tilespmem:s15], [sflag:$0x1] =	stream.linear.gather [hbm4b:s16+s2], $0x80, $0x38;
	[tilespmem:$0x10200] =	vst v63  }
0x66: {  	s17 =	sadd.s32 s3, s17;
	s20 =	sand.u32 $0x1FFFFFF0, s31;
	s21 =	spop (v2sf)  }
0x67: {  	[tilespmem:s19], [sflag:$0x1] =	stream.linear.gather [hbm4b:s17+s2], $0x80, $0x38;
	[tilespmem:$0x10200] =	vst v63  }
0x68: {  	s15 =	sadd.s32 s3, s20;
	s16 =	sand.u32 $0x1FFFFFF0, s21;
	s22 =	spop (v2sf)  }
0x69: {  	[tilespmem:s14], [sflag:$0x1] =	stream.linear.gather [hbm4b:s15+s2], $0x80, $0x38;
	[tilespmem:$0x10200] =	vst v63  }
0x6a: {  	s23 =	sand.u32 $0x1FFFFFF0, s22;
	s16 =	sadd.s32 s3, s16;
	s24 =	spop (v2sf)  }
0x6b: {  	[tilespmem:s12], [sflag:$0x1] =	stream.linear.gather [hbm4b:s16+s2], $0x80, $0x38;
	[tilespmem:$0x10200] =	vst v63  }
0x6c: {  	s25 =	sand.u32 $0x1FFFFFF0, s24;
	s26 =	spop (v2sf);
	s14 =	sadd.s32 s3, s23  }
0x6d: {  	[tilespmem:s13], [sflag:$0x1] =	stream.linear.gather [hbm4b:s14+s2], $0x80, $0x38;
	[tilespmem:$0x10200] =	vst v63  }
0x6e: {  	s29 =	sadd.s32 $0x900, s11;
	s28 =	sand.u32 $0x1FFFFFF0, s26;
	s12 =	sadd.s32 s3, s25  }
0x6f: {  	[tilespmem:s29], [sflag:$0x1] =	stream.linear.gather [hbm4b:s12+s2], $0x80, $0x38;
	[tilespmem:$0x10200] =	vst v63  }
0x70: {  	s30 =	sadd.s32 $0x980, s11;
	s31 =	sadd.s32 s3, s28  }
0x71: {  	[tilespmem:s30], [sflag:$0x1] =	stream.linear.gather [hbm4b:s31+s2], $0x80, $0x38;
	[tilespmem:$0x10200] =	vst v63  }
0x72: {  	s10 =	sadd.s32 $0x1, s10;
	_ =	swait.ge [sflag:s8], $0x10000  }
0x73: {  	p0 =	sne.s32 s10, s6;
	[sflag:s8] =	ssyncset.done $0x0  }
.Ltmp1:
0x74: {  	[sflag:s8] =	ssyncadd.s32 $0xFFFF0000;
	(pc) =	sbr.rel @p0 .LBB2_1-.Ltmp1, $4  }
0x75: {  	[hbm4b:s5+s2] =	stream.linear.scatter [tilespmem:s9], [sflag:$0x2], $0x10000, $0x38;
	[tilespmem:$0x10200] =	vst v63  }
0x76: {  	_ =	swait.ge [sflag:s7], $0x10000  }
0x77: {  	[sflag:s7] =	ssyncset.done $0x0  }
0x78: {  	[sflag:s7] =	ssyncadd.s32 $0xFFFF0000  }
0x79: {  	_ =	sfence.sel $0x180000  }
0x7a: {  	[bflag:$0x0] =	sbarrier.arrive $0xFFFF  }
0x7b: {  	p0 =	sne.s32 s1, $0x0;
	_ =	strace $0x9000004A  }
0x7c: {  	s0 =	sadd.s32 @!p0 $0x100000, s0;
	[bflag:$0x2] =	sbarrier.arrive $0xFFFF  }
0x7d: {  	[sflag:s0] =	ssyncadd.tile.s32 @!p0 $0x1;
	_ =	shalt  }
.Lfunc_end2:
_tile_overlayer_lowered:
.L_overlay_start_2:
0x7e: {  	(tag) =	ssettag $0x2  }
0x7f: {  	s0 =	rddreg [dreg:$0x0];
	s2 =	stileid.u32  }
0x80: {  	s1 =	rddreg [dreg:$0x1];
	p0 =	sne.s32 s2, $0x0  }
0x81: {  	s3 =	rddreg [dreg:$0x2];
	[bflag:$0x3] =	sbarrier.arrive $0xFFFF;
	s2 =	simm.s32 @!p0 $0x1C02  }
0x82: {  	[timem:s3], [sflag:s2] =	dma.local @!p0 [hbm:s0], s1  }
0x83: {  	s0 =	simm.s32 @!p0 $0x2  }
0x84: {  	_ =	swait.ge @!p0 [sflag:s0], s1  }
0x85: {  	s1 =	ssub.s32 @!p0 $0x0, s1;
	[sflag:s0] =	ssyncset.done @!p0 $0x0  }
0x86: {  	[sflag:s0] =	ssyncadd.s32 @!p0 s1  }
0x87: {  	[bflag:$0x3] =	sbarrier.arrive $0xFFFF  }
0x88: {  	_ =	shalt  }

</sc_bundles>
